<compile_context>
chip_gen: v7x
topology: tpu7x:2x2x1
jax: 0.10.2.dev20260603
libtpu: 0.0.44.dev20260713+nightly
codegen_flags: <defaults>
</compile_context>

<pallas_src>
import functools

import jax
import jax.numpy as jnp
from jax import lax
from jax.experimental import pallas as pl
from jax.experimental.pallas import tpu as pltpu
from jax.experimental.pallas import tpu_sc as plsc

_N = 10000
_E = 320000
_D = 128
_DP = 16
_DH = 64
_CH = 80
_RCH = 400
_NRCH = _N // _RCH


def _spmm(d, f_tables, src, dst, w, edge_split):
    mesh = plsc.VectorSubcoreMesh(core_axis_name="c", subcore_axis_name="s")
    nseg = d // 16
    ept = _E // 32 if edge_split else _E // 16
    nch = ept // _CH

    @functools.partial(
        pl.kernel,
        out_type=jax.ShapeDtypeStruct((2 * _N, d), jnp.float32),
        mesh=mesh,
        scratch_types=[
            pltpu.VMEM((_CH,), jnp.int32),
            pltpu.VMEM((_CH,), jnp.int32),
            pltpu.VMEM((_CH,), jnp.float32),
            pltpu.VMEM((_CH, d), jnp.float32),
            pltpu.VMEM((_RCH, d), jnp.float32),
            pltpu.VMEM_SHARED((_N, d), jnp.float32),
            pltpu.SemaphoreType.DMA,
        ],
        compiler_params=pltpu.CompilerParams(use_tc_tiling_on_sc=False),
    )
    def k(*refs):
        f_hbms = refs[:len(f_tables)]
        (src_hbm, dst_hbm, w_hbm, out_hbm, srcv, dstv, wv, rows,
         zbuf, acc, gsem) = refs[len(f_tables):]
        cid = lax.axis_index("c")
        sid = lax.axis_index("s")
        zero16 = jnp.zeros((16,), jnp.float32)

        def zrow(i, carry):
            for j in range(nseg):
                zbuf[i, pl.ds(j * 16, 16)] = zero16
            return carry

        lax.fori_loop(0, _RCH, zrow, 0)
        for j in range(2):
            c = sid + j * 16

            @pl.when(c < _NRCH)
            def _():
                pltpu.sync_copy(zbuf, acc.at[pl.ds(c * _RCH, _RCH)])

        plsc.subcore_barrier()

        def chunk(g, carry):
            if edge_split:
                base = (cid * 16 + sid) * ept + g * _CH
            else:
                base = sid * ept + g * _CH
            pltpu.sync_copy(src_hbm.at[pl.ds(base, _CH)], srcv)
            pltpu.sync_copy(dst_hbm.at[pl.ds(base, _CH)], dstv)
            pltpu.sync_copy(w_hbm.at[pl.ds(base, _CH)], wv)
            if len(f_tables) == 1:
                pltpu.async_copy(f_hbms[0].at[srcv], rows, gsem).wait()
            else:
                for c in range(2):
                    @pl.when(cid == c)
                    def _():
                        pltpu.async_copy(f_hbms[c].at[srcv], rows,
                                         gsem).wait()

            def scale(g16, c2):
                wvec = wv[pl.ds(g16 * 16, 16)]
                for l in range(16):
                    e = g16 * 16 + l
                    ws = jnp.full((16,), wvec[l], jnp.float32)
                    for j in range(nseg):
                        rows[e, pl.ds(j * 16, 16)] = (
                            rows[e, pl.ds(j * 16, 16)] * ws)
                return c2

            lax.fori_loop(0, _CH // 16, scale, 0)
            pltpu.sync_copy(rows, acc.at[dstv], add=True)
            return carry

        lax.fori_loop(0, nch, chunk, 0)
        plsc.subcore_barrier()
        for j in range(2):
            c = sid + j * 16

            @pl.when(c < _NRCH)
            def _():
                pltpu.sync_copy(acc.at[pl.ds(c * _RCH, _RCH)],
                                out_hbm.at[pl.ds(cid * _N + c * _RCH, _RCH)])

    return k(*f_tables, src, dst, w)


def _mm_body(x_ref, w_ref, o_ref):
    o_ref[...] = jnp.dot(x_ref[...], w_ref[...],
                         preferred_element_type=jnp.float32)


def _tc_mm(x, w):
    m, kdim = x.shape
    n = w.shape[1]
    bm = 1000
    return pl.pallas_call(
        _mm_body,
        grid=(m // bm,),
        in_specs=[pl.BlockSpec((bm, kdim), lambda i: (i, 0)),
                  pl.BlockSpec((kdim, n), lambda i: (0, 0))],
        out_specs=pl.BlockSpec((bm, n), lambda i: (i, 0)),
        out_shape=jax.ShapeDtypeStruct((m, n), jnp.float32),
    )(x, w)


def _mid_body(a_ref, b_ref, m_ref, w_ref, o_ref):
    s = jnp.concatenate([a_ref[0], a_ref[1]], axis=-1) + b_ref[...]
    h = jnp.maximum(s, 0.0) * m_ref[...]
    o_ref[...] = jnp.dot(h, w_ref[...], preferred_element_type=jnp.float32)


def _mid(agg, b1, mask, w2p):
    bm = 1000
    return pl.pallas_call(
        _mid_body,
        grid=(_N // bm,),
        in_specs=[pl.BlockSpec((2, bm, _DH), lambda i: (0, i, 0)),
                  pl.BlockSpec((1, _D), lambda i: (0, 0)),
                  pl.BlockSpec((bm, 1), lambda i: (i, 0)),
                  pl.BlockSpec((_D, _DP), lambda i: (0, 0))],
        out_specs=pl.BlockSpec((bm, _DP), lambda i: (i, 0)),
        out_shape=jax.ShapeDtypeStruct((_N, _DP), jnp.float32),
    )(agg, b1, mask, w2p)


def _out_body(a_ref, b_ref, m_ref, o_ref):
    s = a_ref[0] + a_ref[1] + b_ref[...]
    o_ref[...] = jax.nn.sigmoid(s[:, :2]) * m_ref[...]


def _out(agg, b2p, mask):
    bm = 1000
    return pl.pallas_call(
        _out_body,
        grid=(_N // bm,),
        in_specs=[pl.BlockSpec((2, bm, _DP), lambda i: (0, i, 0)),
                  pl.BlockSpec((1, _DP), lambda i: (0, 0)),
                  pl.BlockSpec((bm, 1), lambda i: (i, 0))],
        out_specs=pl.BlockSpec((bm, 2), lambda i: (i, 0)),
        out_shape=jax.ShapeDtypeStruct((_N, 2), jnp.float32),
    )(agg, b2p, mask)


def kernel(x, edge_index, edge_weight, mask, W1, b1, W2, b2):
    src = edge_index[0].astype(jnp.int32)
    dst = edge_index[1].astype(jnp.int32)
    w = edge_weight.astype(jnp.float32)

    h = _tc_mm(x, W1)
    agg1 = _spmm(_DH, [h[:, :_DH], h[:, _DH:]], src, dst, w,
                 edge_split=False).reshape(2, _N, _DH)

    w2p = jnp.zeros((_D, _DP), jnp.float32).at[:, :2].set(W2)
    p = _mid(agg1, b1.reshape(1, _D), mask, w2p)

    agg2 = _spmm(_DP, [p], src, dst, w,
                 edge_split=True).reshape(2, _N, _DP)
    b2p = jnp.zeros((1, _DP), jnp.float32).at[0, :2].set(b2)
    return _out(agg2, b2p, mask)

# --- scband reference (transcript-rebuilt; emitter-appended) ---
"""Pipeline reference for scband-pinn-26096221291204 (READ-ONLY COPY).

The authoritative reference and input builder live on the scoring server;
editing this copy changes nothing except your own understanding.
"""

import jax, jax.numpy as jnp
import numpy as np

N_NODES = 10000
N_EDGES = 320000
D_FEAT = 128
HIDDEN = 128
N_COL = 2


def setup_inputs(seed: int = 0) -> dict:
    key = jax.random.key(seed)
    k1, k2, k3, k4, k5, k6, k7 = jax.random.split(key, 7)
    x = jax.random.normal(k1, (N_NODES, D_FEAT), dtype=jnp.float32)
    edge_index = jax.random.randint(k2, (2, N_EDGES), 0, N_NODES, dtype=jnp.int64)
    edge_weight = jax.random.uniform(k3, (N_EDGES,), dtype=jnp.float32)
    mask = jnp.ones((N_NODES, 1), dtype=jnp.float32)
    # learned parameters for the two GCNConv layers
    W1 = jax.random.normal(k4, (D_FEAT, HIDDEN), dtype=jnp.float32) * (1.0 / np.sqrt(D_FEAT))
    b1 = jnp.zeros((HIDDEN,), dtype=jnp.float32)
    W2 = jax.random.normal(k5, (HIDDEN, N_COL), dtype=jnp.float32) * (1.0 / np.sqrt(HIDDEN))
    b2 = jnp.zeros((N_COL,), dtype=jnp.float32)
    return {"x": x, "edge_index": edge_index, "edge_weight": edge_weight, "mask": mask,
            "W1": W1, "b1": b1, "W2": W2, "b2": b2}


def _gcn_layer(x, edge_index, edge_weight, W, b, act, mask):
    # Spektral GCNConv: out = act(A_norm @ (X @ W) + b), masked
    h = x @ W
    src = edge_index[0]
    dst = edge_index[1]
    msg = jnp.take(h, src, axis=0) * edge_weight[:, None]
    agg = jax.ops.segment_sum(msg, dst, num_segments=N_NODES)
    out = act(agg + b)
    return out * mask


def reference(x, edge_index, edge_weight, mask, W1, b1, W2, b2):
    h = _gcn_layer(x, edge_index, edge_weight, W1, b1, jax.nn.relu, mask)
    out = _gcn_layer(h, edge_index, edge_weight, W2, b2, jax.nn.sigmoid, mask)
    return out

if __name__ == "__main__":
    import jax
    _d = setup_inputs()
    print(jax.jit(kernel)(*tuple(_d.values())))

</pallas_src>

<mosaic_0001>
#map = affine_map<(d0, d1) -> (0, 0)>
#map1 = affine_map<(d0, d1) -> (0)>
module attributes {stable_mosaic.version = 14 : i64} {
  func.func @k(%arg0: i32, %arg1: i32, %arg2: memref<10000x64xf32, #tpu.memory_space<hbm>>, %arg3: memref<10000x64xf32, #tpu.memory_space<hbm>>, %arg4: memref<320000xi32, #tpu.memory_space<hbm>>, %arg5: memref<320000xi32, #tpu.memory_space<hbm>>, %arg6: memref<320000xf32, #tpu.memory_space<hbm>>, %arg7: memref<20000x64xf32, #tpu.memory_space<hbm>>, %arg8: memref<80xi32, #tpu.memory_space<vmem>>, %arg9: memref<80xi32, #tpu.memory_space<vmem>>, %arg10: memref<80xf32, #tpu.memory_space<vmem>>, %arg11: memref<80x64xf32, #tpu.memory_space<vmem>>, %arg12: memref<400x64xf32, #tpu.memory_space<vmem>>, %arg13: memref<10000x64xf32, #tpu.memory_space<vmem_shared>>, %arg14: memref<!tpu.dma_semaphore, #tpu.memory_space<semaphore_mem>>) attributes {dimension_semantics = [#tpu.dimension_semantics<core_parallel>, #tpu.dimension_semantics<subcore_parallel>], iteration_bounds = array<i64: 2, 16>, scalar_prefetch = 0 : i64, scratch_operands = 7 : i64, tpu.core_type = #tpu.core_type<sc_vector_subcore>, window_params = [{transform_indices = #map}, {transform_indices = #map}, {transform_indices = #map1}, {transform_indices = #map1}, {transform_indices = #map1}, {transform_indices = #map}]} {
    %broadcast_in_dim3A = arith.constant 0.000000e+00 : f32
    %broadcast_in_dim3A_0 = vector.broadcast %broadcast_in_dim3A : f32 to vector<16xf32>
    %scan3A = arith.constant 0 : i32
    %scan3A_1 = arith.constant 0 : i32
    %scan3A_2 = arith.constant 400 : i32
    %scan3A_3 = arith.addi %scan3A_1, %scan3A_2 : i32
    %scan3A_4 = arith.constant 1 : i32
    scf.for %scan3A_37 = %scan3A_1 to %scan3A_3 step %scan3A_4  : i32 {
      %swap3A = arith.index_cast %scan3A_37 : i32 to index
      %swap3A_38 = arith.constant 0 : index
      %swap3A_39 = tpu.vector_load %arg12[%swap3A, %swap3A_38] {strides = array<i32>} : memref<400x64xf32, #tpu.memory_space<vmem>>, vector<1x16xf32>,
      %swap3A_40 = vector.shape_cast %swap3A_39 : vector<1x16xf32> to vector<16xf32>
      %swap3A_41 = vector.shape_cast %broadcast_in_dim3A_0 : vector<16xf32> to vector<1x16xf32>
      tpu.vector_store %arg12[%swap3A, %swap3A_38], %swap3A_41 {strides = array<i32>} : memref<400x64xf32, #tpu.memory_space<vmem>>, vector<1x16xf32>,
      %swap3A_42 = arith.index_cast %scan3A_37 : i32 to index
      %swap3A_43 = arith.constant 16 : index
      %swap3A_44 = tpu.vector_load %arg12[%swap3A_42, %swap3A_43] {strides = array<i32>} : memref<400x64xf32, #tpu.memory_space<vmem>>, vector<1x16xf32>,
      %swap3A_45 = vector.shape_cast %swap3A_44 : vector<1x16xf32> to vector<16xf32>
      %swap3A_46 = vector.shape_cast %broadcast_in_dim3A_0 : vector<16xf32> to vector<1x16xf32>
      tpu.vector_store %arg12[%swap3A_42, %swap3A_43], %swap3A_46 {strides = array<i32>} : memref<400x64xf32, #tpu.memory_space<vmem>>, vector<1x16xf32>,
      %swap3A_47 = arith.index_cast %scan3A_37 : i32 to index
      %swap3A_48 = arith.constant 32 : index
      %swap3A_49 = tpu.vector_load %arg12[%swap3A_47, %swap3A_48] {strides = array<i32>} : memref<400x64xf32, #tpu.memory_space<vmem>>, vector<1x16xf32>,
      %swap3A_50 = vector.shape_cast %swap3A_49 : vector<1x16xf32> to vector<16xf32>
      %swap3A_51 = vector.shape_cast %broadcast_in_dim3A_0 : vector<16xf32> to vector<1x16xf32>
      tpu.vector_store %arg12[%swap3A_47, %swap3A_48], %swap3A_51 {strides = array<i32>} : memref<400x64xf32, #tpu.memory_space<vmem>>, vector<1x16xf32>,
      %swap3A_52 = arith.index_cast %scan3A_37 : i32 to index
      %swap3A_53 = arith.constant 48 : index
      %swap3A_54 = tpu.vector_load %arg12[%swap3A_52, %swap3A_53] {strides = array<i32>} : memref<400x64xf32, #tpu.memory_space<vmem>>, vector<1x16xf32>,
      %swap3A_55 = vector.shape_cast %swap3A_54 : vector<1x16xf32> to vector<16xf32>
      %swap3A_56 = vector.shape_cast %broadcast_in_dim3A_0 : vector<16xf32> to vector<1x16xf32>
      tpu.vector_store %arg12[%swap3A_52, %swap3A_53], %swap3A_56 {strides = array<i32>} : memref<400x64xf32, #tpu.memory_space<vmem>>, vector<1x16xf32>,
    }
    %scan3A_5 = arith.constant 400 : i32
    %add3A = arith.constant 0 : i32
    %add3A_6 = arith.addi %arg1, %add3A : i32
    %lt3A = arith.constant 25 : i32
    %lt3A_7 = arith.cmpi slt, %add3A_6, %lt3A : i32
    %convert_element_type3A = arith.extui %lt3A_7 : i1 to i32
    %cond3A = arith.constant 0 : i32
    %cond3A_8 = arith.cmpi ne, %convert_element_type3A, %cond3A : i32
    scf.if %cond3A_8 {
      %mul3A = arith.constant 400 : i32
      %mul3A_37 = arith.muli %add3A_6, %mul3A : i32
      "tpu.region"() ({
        %run_scoped3A = tpu.sem_alloc : memref<!tpu.dma_semaphore, #tpu.memory_space<semaphore_mem>>
        %dma_start3A = arith.constant 0 : i32
        %dma_start3A_38 = tpu.memref_slice %arg13[%mul3A_37, %dma_start3A] : memref<10000x64xf32, #tpu.memory_space<vmem_shared>> -> memref<400x64xf32, #tpu.memory_space<vmem_shared>>
        %dma_start3A_39 = arith.constant 0 : i32
        %dma_start3A_40 = tpu.memref_slice %arg13[%mul3A_37, %dma_start3A_39] : memref<10000x64xf32, #tpu.memory_space<vmem_shared>> -> memref<400x64xf32, #tpu.memory_space<vmem_shared>>
        tpu.enqueue_dma source(%arg12 : memref<400x64xf32, #tpu.memory_space<vmem>>) target(%dma_start3A_40 : memref<400x64xf32, #tpu.memory_space<vmem_shared>>) target_semaphore(%run_scoped3A : memref<!tpu.dma_semaphore, #tpu.memory_space<semaphore_mem>>)
        %dma_wait3A = arith.constant 0 : i32
        %dma_wait3A_41 = tpu.memref_slice %arg13[%mul3A_37, %dma_wait3A] : memref<10000x64xf32, #tpu.memory_space<vmem_shared>> -> memref<400x64xf32, #tpu.memory_space<vmem_shared>>
        %dma_wait3A_42 = arith.constant 0 : i32
        %dma_wait3A_43 = tpu.memref_slice %arg13[%mul3A_37, %dma_wait3A_42] : memref<10000x64xf32, #tpu.memory_space<vmem_shared>> -> memref<400x64xf32, #tpu.memory_space<vmem_shared>>
        tpu.wait_dma2 semaphore(%run_scoped3A : memref<!tpu.dma_semaphore, #tpu.memory_space<semaphore_mem>>) src(%arg12 : memref<400x64xf32, #tpu.memory_space<vmem>>) dst(%dma_wait3A_43 : memref<400x64xf32, #tpu.memory_space<vmem_shared>>)
        tpu.yield
      }) : () -> ()
    } else {
    }
    %add3A_9 = arith.constant 16 : i32
    %add3A_10 = arith.addi %arg1, %add3A_9 : i32
    %lt3A_11 = arith.constant 25 : i32
    %lt3A_12 = arith.cmpi slt, %add3A_10, %lt3A_11 : i32
    %convert_element_type3A_13 = arith.extui %lt3A_12 : i1 to i32
    %cond3A_14 = arith.constant 0 : i32
    %cond3A_15 = arith.cmpi ne, %convert_element_type3A_13, %cond3A_14 : i32
    scf.if %cond3A_15 {
      %mul3A = arith.constant 400 : i32
      %mul3A_37 = arith.muli %add3A_10, %mul3A : i32
      "tpu.region"() ({
        %run_scoped3A = tpu.sem_alloc : memref<!tpu.dma_semaphore, #tpu.memory_space<semaphore_mem>>
        %dma_start3A = arith.constant 0 : i32
        %dma_start3A_38 = tpu.memref_slice %arg13[%mul3A_37, %dma_start3A] : memref<10000x64xf32, #tpu.memory_space<vmem_shared>> -> memref<400x64xf32, #tpu.memory_space<vmem_shared>>
        %dma_start3A_39 = arith.constant 0 : i32
        %dma_start3A_40 = tpu.memref_slice %arg13[%mul3A_37, %dma_start3A_39] : memref<10000x64xf32, #tpu.memory_space<vmem_shared>> -> memref<400x64xf32, #tpu.memory_space<vmem_shared>>
        tpu.enqueue_dma source(%arg12 : memref<400x64xf32, #tpu.memory_space<vmem>>) target(%dma_start3A_40 : memref<400x64xf32, #tpu.memory_space<vmem_shared>>) target_semaphore(%run_scoped3A : memref<!tpu.dma_semaphore, #tpu.memory_space<semaphore_mem>>)
        %dma_wait3A = arith.constant 0 : i32
        %dma_wait3A_41 = tpu.memref_slice %arg13[%mul3A_37, %dma_wait3A] : memref<10000x64xf32, #tpu.memory_space<vmem_shared>> -> memref<400x64xf32, #tpu.memory_space<vmem_shared>>
        %dma_wait3A_42 = arith.constant 0 : i32
        %dma_wait3A_43 = tpu.memref_slice %arg13[%mul3A_37, %dma_wait3A_42] : memref<10000x64xf32, #tpu.memory_space<vmem_shared>> -> memref<400x64xf32, #tpu.memory_space<vmem_shared>>
        tpu.wait_dma2 semaphore(%run_scoped3A : memref<!tpu.dma_semaphore, #tpu.memory_space<semaphore_mem>>) src(%arg12 : memref<400x64xf32, #tpu.memory_space<vmem>>) dst(%dma_wait3A_43 : memref<400x64xf32, #tpu.memory_space<vmem_shared>>)
        tpu.yield
      }) : () -> ()
    } else {
    }
    %barrier3A = arith.constant 0 : index
    tpu.barrier barrier_id(%barrier3A)
    %scan3A_16 = arith.constant 0 : i32
    %scan3A_17 = arith.constant 0 : i32
    %scan3A_18 = arith.constant 250 : i32
    %scan3A_19 = arith.addi %scan3A_17, %scan3A_18 : i32
    %scan3A_20 = arith.constant 1 : i32
    scf.for %scan3A_37 = %scan3A_17 to %scan3A_19 step %scan3A_20  : i32 {
      %mul3A = arith.constant 20000 : i32
      %mul3A_38 = arith.muli %arg1, %mul3A : i32
      %mul3A_39 = arith.constant 80 : i32
      %mul3A_40 = arith.muli %scan3A_37, %mul3A_39 : i32
      %add3A_41 = arith.addi %mul3A_38, %mul3A_40 : i32
      "tpu.region"() ({
        %run_scoped3A = tpu.sem_alloc : memref<!tpu.dma_semaphore, #tpu.memory_space<semaphore_mem>>
        %dma_start3A = tpu.memref_slice %arg4[%add3A_41] : memref<320000xi32, #tpu.memory_space<hbm>> -> memref<80xi32, #tpu.memory_space<hbm>>
        %dma_start3A_57 = tpu.memref_slice %arg4[%add3A_41] : memref<320000xi32, #tpu.memory_space<hbm>> -> memref<80xi32, #tpu.memory_space<hbm>>
        tpu.enqueue_dma source(%dma_start3A_57 : memref<80xi32, #tpu.memory_space<hbm>>) target(%arg8 : memref<80xi32, #tpu.memory_space<vmem>>) target_semaphore(%run_scoped3A : memref<!tpu.dma_semaphore, #tpu.memory_space<semaphore_mem>>)
        %dma_wait3A = tpu.memref_slice %arg4[%add3A_41] : memref<320000xi32, #tpu.memory_space<hbm>> -> memref<80xi32, #tpu.memory_space<hbm>>
        %dma_wait3A_58 = tpu.memref_slice %arg4[%add3A_41] : memref<320000xi32, #tpu.memory_space<hbm>> -> memref<80xi32, #tpu.memory_space<hbm>>
        tpu.wait_dma2 semaphore(%run_scoped3A : memref<!tpu.dma_semaphore, #tpu.memory_space<semaphore_mem>>) src(%dma_wait3A_58 : memref<80xi32, #tpu.memory_space<hbm>>) dst(%arg8 : memref<80xi32, #tpu.memory_space<vmem>>)
        tpu.yield
      }) : () -> ()
      "tpu.region"() ({
        %run_scoped3A = tpu.sem_alloc : memref<!tpu.dma_semaphore, #tpu.memory_space<semaphore_mem>>
        %dma_start3A = tpu.memref_slice %arg5[%add3A_41] : memref<320000xi32, #tpu.memory_space<hbm>> -> memref<80xi32, #tpu.memory_space<hbm>>
        %dma_start3A_57 = tpu.memref_slice %arg5[%add3A_41] : memref<320000xi32, #tpu.memory_space<hbm>> -> memref<80xi32, #tpu.memory_space<hbm>>
        tpu.enqueue_dma source(%dma_start3A_57 : memref<80xi32, #tpu.memory_space<hbm>>) target(%arg9 : memref<80xi32, #tpu.memory_space<vmem>>) target_semaphore(%run_scoped3A : memref<!tpu.dma_semaphore, #tpu.memory_space<semaphore_mem>>)
        %dma_wait3A = tpu.memref_slice %arg5[%add3A_41] : memref<320000xi32, #tpu.memory_space<hbm>> -> memref<80xi32, #tpu.memory_space<hbm>>
        %dma_wait3A_58 = tpu.memref_slice %arg5[%add3A_41] : memref<320000xi32, #tpu.memory_space<hbm>> -> memref<80xi32, #tpu.memory_space<hbm>>
        tpu.wait_dma2 semaphore(%run_scoped3A : memref<!tpu.dma_semaphore, #tpu.memory_space<semaphore_mem>>) src(%dma_wait3A_58 : memref<80xi32, #tpu.memory_space<hbm>>) dst(%arg9 : memref<80xi32, #tpu.memory_space<vmem>>)
        tpu.yield
      }) : () -> ()
      "tpu.region"() ({
        %run_scoped3A = tpu.sem_alloc : memref<!tpu.dma_semaphore, #tpu.memory_space<semaphore_mem>>
        %dma_start3A = tpu.memref_slice %arg6[%add3A_41] : memref<320000xf32, #tpu.memory_space<hbm>> -> memref<80xf32, #tpu.memory_space<hbm>>
        %dma_start3A_57 = tpu.memref_slice %arg6[%add3A_41] : memref<320000xf32, #tpu.memory_space<hbm>> -> memref<80xf32, #tpu.memory_space<hbm>>
        tpu.enqueue_dma source(%dma_start3A_57 : memref<80xf32, #tpu.memory_space<hbm>>) target(%arg10 : memref<80xf32, #tpu.memory_space<vmem>>) target_semaphore(%run_scoped3A : memref<!tpu.dma_semaphore, #tpu.memory_space<semaphore_mem>>)
        %dma_wait3A = tpu.memref_slice %arg6[%add3A_41] : memref<320000xf32, #tpu.memory_space<hbm>> -> memref<80xf32, #tpu.memory_space<hbm>>
        %dma_wait3A_58 = tpu.memref_slice %arg6[%add3A_41] : memref<320000xf32, #tpu.memory_space<hbm>> -> memref<80xf32, #tpu.memory_space<hbm>>
        tpu.wait_dma2 semaphore(%run_scoped3A : memref<!tpu.dma_semaphore, #tpu.memory_space<semaphore_mem>>) src(%dma_wait3A_58 : memref<80xf32, #tpu.memory_space<hbm>>) dst(%arg10 : memref<80xf32, #tpu.memory_space<vmem>>)
        tpu.yield
      }) : () -> ()
      %eq3A = arith.constant 0 : i32
      %eq3A_42 = arith.cmpi eq, %arg0, %eq3A : i32
      %convert_element_type3A_43 = arith.extui %eq3A_42 : i1 to i32
      %cond3A_44 = arith.constant 0 : i32
      %cond3A_45 = arith.cmpi ne, %convert_element_type3A_43, %cond3A_44 : i32
      scf.if %cond3A_45 {
        %dma_start3A = arith.constant 0 : i32
        %dma_start3A_57 = arith.constant 0 : i32
        %dma_start3A_58 = tpu.memref_slice %arg2[%dma_start3A, %dma_start3A_57] : memref<10000x64xf32, #tpu.memory_space<hbm>> -> memref<10000x64xf32, #tpu.memory_space<hbm>>
        tpu.enqueue_indirect_dma source(%dma_start3A_58 : memref<10000x64xf32, #tpu.memory_space<hbm>>) target(%arg11 : memref<80x64xf32, #tpu.memory_space<vmem>>) offsets(%arg8 : memref<80xi32, #tpu.memory_space<vmem>>) semaphore(%arg14 : memref<!tpu.dma_semaphore, #tpu.memory_space<semaphore_mem>>)
        %dma_wait3A = arith.constant 0 : i32
        %dma_wait3A_59 = arith.constant 0 : i32
        %dma_wait3A_60 = tpu.memref_slice %arg2[%dma_wait3A, %dma_wait3A_59] : memref<10000x64xf32, #tpu.memory_space<hbm>> -> memref<10000x64xf32, #tpu.memory_space<hbm>>
        tpu.wait_indirect_dma semaphore(%arg14 : memref<!tpu.dma_semaphore, #tpu.memory_space<semaphore_mem>>) src(%dma_wait3A_60 : memref<10000x64xf32, #tpu.memory_space<hbm>>) dst(%arg11 : memref<80x64xf32, #tpu.memory_space<vmem>>)
      } else {
      }
      %eq3A_46 = arith.constant 1 : i32
      %eq3A_47 = arith.cmpi eq, %arg0, %eq3A_46 : i32
      %convert_element_type3A_48 = arith.extui %eq3A_47 : i1 to i32
      %cond3A_49 = arith.constant 0 : i32
      %cond3A_50 = arith.cmpi ne, %convert_element_type3A_48, %cond3A_49 : i32
      scf.if %cond3A_50 {
        %dma_start3A = arith.constant 0 : i32
        %dma_start3A_57 = arith.constant 0 : i32
        %dma_start3A_58 = tpu.memref_slice %arg3[%dma_start3A, %dma_start3A_57] : memref<10000x64xf32, #tpu.memory_space<hbm>> -> memref<10000x64xf32, #tpu.memory_space<hbm>>
        tpu.enqueue_indirect_dma source(%dma_start3A_58 : memref<10000x64xf32, #tpu.memory_space<hbm>>) target(%arg11 : memref<80x64xf32, #tpu.memory_space<vmem>>) offsets(%arg8 : memref<80xi32, #tpu.memory_space<vmem>>) semaphore(%arg14 : memref<!tpu.dma_semaphore, #tpu.memory_space<semaphore_mem>>)
        %dma_wait3A = arith.constant 0 : i32
        %dma_wait3A_59 = arith.constant 0 : i32
        %dma_wait3A_60 = tpu.memref_slice %arg3[%dma_wait3A, %dma_wait3A_59] : memref<10000x64xf32, #tpu.memory_space<hbm>> -> memref<10000x64xf32, #tpu.memory_space<hbm>>
        tpu.wait_indirect_dma semaphore(%arg14 : memref<!tpu.dma_semaphore, #tpu.memory_space<semaphore_mem>>) src(%dma_wait3A_60 : memref<10000x64xf32, #tpu.memory_space<hbm>>) dst(%arg11 : memref<80x64xf32, #tpu.memory_space<vmem>>)
      } else {
      }
      %scan3A_51 = arith.constant 0 : i32
      %scan3A_52 = arith.constant 0 : i32
      %scan3A_53 = arith.constant 5 : i32
      %scan3A_54 = arith.addi %scan3A_52, %scan3A_53 : i32
      %scan3A_55 = arith.constant 1 : i32
      scf.for %scan3A_57 = %scan3A_52 to %scan3A_54 step %scan3A_55  : i32 {
        %mul3A_58 = arith.constant 16 : i32
        %mul3A_59 = arith.muli %scan3A_57, %mul3A_58 : i32
        %get3A = arith.index_cast %mul3A_59 : i32 to index
        %get3A_60 = tpu.vector_load %arg10[%get3A] {strides = array<i32>} : memref<80xf32, #tpu.memory_space<vmem>>, vector<16xf32>,
        %get3A_61 = vector.shape_cast %get3A_60 : vector<16xf32> to vector<16xf32>
        %mul3A_62 = arith.constant 16 : i32
        %mul3A_63 = arith.muli %scan3A_57, %mul3A_62 : i32
        %add3A_64 = arith.constant 0 : i32
        %add3A_65 = arith.addi %mul3A_63, %add3A_64 : i32
        %slice3A = vector.extract_strided_slice %get3A_61 {offsets = [0], sizes = [1], strides = [1]} : vector<16xf32> to vector<1xf32>
        %squeeze3A = vector.extract %slice3A[0] : f32 from vector<1xf32>
        %broadcast_in_dim3A_66 = vector.broadcast %squeeze3A : f32 to vector<16xf32>
        %get3A_67 = arith.index_cast %add3A_65 : i32 to index
        %get3A_68 = arith.constant 0 : index
        %get3A_69 = tpu.vector_load %arg11[%get3A_67, %get3A_68] {strides = array<i32>} : memref<80x64xf32, #tpu.memory_space<vmem>>, vector<1x16xf32>,
        %get3A_70 = vector.shape_cast %get3A_69 : vector<1x16xf32> to vector<16xf32>
        %mul3A_71 = arith.mulf %get3A_70, %broadcast_in_dim3A_66 : vector<16xf32>
        %swap3A = arith.index_cast %add3A_65 : i32 to index
        %swap3A_72 = arith.constant 0 : index
        %swap3A_73 = tpu.vector_load %arg11[%swap3A, %swap3A_72] {strides = array<i32>} : memref<80x64xf32, #tpu.memory_space<vmem>>, vector<1x16xf32>,
        %swap3A_74 = vector.shape_cast %swap3A_73 : vector<1x16xf32> to vector<16xf32>
        %swap3A_75 = vector.shape_cast %mul3A_71 : vector<16xf32> to vector<1x16xf32>
        tpu.vector_store %arg11[%swap3A, %swap3A_72], %swap3A_75 {strides = array<i32>} : memref<80x64xf32, #tpu.memory_space<vmem>>, vector<1x16xf32>,
        %get3A_76 = arith.index_cast %add3A_65 : i32 to index
        %get3A_77 = arith.constant 16 : index
        %get3A_78 = tpu.vector_load %arg11[%get3A_76, %get3A_77] {strides = array<i32>} : memref<80x64xf32, #tpu.memory_space<vmem>>, vector<1x16xf32>,
        %get3A_79 = vector.shape_cast %get3A_78 : vector<1x16xf32> to vector<16xf32>
        %mul3A_80 = arith.mulf %get3A_79, %broadcast_in_dim3A_66 : vector<16xf32>
        %swap3A_81 = arith.index_cast %add3A_65 : i32 to index
        %swap3A_82 = arith.constant 16 : index
        %swap3A_83 = tpu.vector_load %arg11[%swap3A_81, %swap3A_82] {strides = array<i32>} : memref<80x64xf32, #tpu.memory_space<vmem>>, vector<1x16xf32>,
        %swap3A_84 = vector.shape_cast %swap3A_83 : vector<1x16xf32> to vector<16xf32>
        %swap3A_85 = vector.shape_cast %mul3A_80 : vector<16xf32> to vector<1x16xf32>
        tpu.vector_store %arg11[%swap3A_81, %swap3A_82], %swap3A_85 {strides = array<i32>} : memref<80x64xf32, #tpu.memory_space<vmem>>, vector<1x16xf32>,
        %get3A_86 = arith.index_cast %add3A_65 : i32 to index
        %get3A_87 = arith.constant 32 : index
        %get3A_88 = tpu.vector_load %arg11[%get3A_86, %get3A_87] {strides = array<i32>} : memref<80x64xf32, #tpu.memory_space<vmem>>, vector<1x16xf32>,
        %get3A_89 = vector.shape_cast %get3A_88 : vector<1x16xf32> to vector<16xf32>
        %mul3A_90 = arith.mulf %get3A_89, %broadcast_in_dim3A_66 : vector<16xf32>
        %swap3A_91 = arith.index_cast %add3A_65 : i32 to index
        %swap3A_92 = arith.constant 32 : index
        %swap3A_93 = tpu.vector_load %arg11[%swap3A_91, %swap3A_92] {strides = array<i32>} : memref<80x64xf32, #tpu.memory_space<vmem>>, vector<1x16xf32>,
        %swap3A_94 = vector.shape_cast %swap3A_93 : vector<1x16xf32> to vector<16xf32>
        %swap3A_95 = vector.shape_cast %mul3A_90 : vector<16xf32> to vector<1x16xf32>
        tpu.vector_store %arg11[%swap3A_91, %swap3A_92], %swap3A_95 {strides = array<i32>} : memref<80x64xf32, #tpu.memory_space<vmem>>, vector<1x16xf32>,
        %get3A_96 = arith.index_cast %add3A_65 : i32 to index
        %get3A_97 = arith.constant 48 : index
        %get3A_98 = tpu.vector_load %arg11[%get3A_96, %get3A_97] {strides = array<i32>} : memref<80x64xf32, #tpu.memory_space<vmem>>, vector<1x16xf32>,
        %get3A_99 = vector.shape_cast %get3A_98 : vector<1x16xf32> to vector<16xf32>
        %mul3A_100 = arith.mulf %get3A_99, %broadcast_in_dim3A_66 : vector<16xf32>
        %swap3A_101 = arith.index_cast %add3A_65 : i32 to index
        %swap3A_102 = arith.constant 48 : index
        %swap3A_103 = tpu.vector_load %arg11[%swap3A_101, %swap3A_102] {strides = array<i32>} : memref<80x64xf32, #tpu.memory_space<vmem>>, vector<1x16xf32>,
        %swap3A_104 = vector.shape_cast %swap3A_103 : vector<1x16xf32> to vector<16xf32>
        %swap3A_105 = vector.shape_cast %mul3A_100 : vector<16xf32> to vector<1x16xf32>
        tpu.vector_store %arg11[%swap3A_101, %swap3A_102], %swap3A_105 {strides = array<i32>} : memref<80x64xf32, #tpu.memory_space<vmem>>, vector<1x16xf32>,
        %mul3A_106 = arith.constant 16 : i32
        %mul3A_107 = arith.muli %scan3A_57, %mul3A_106 : i32
        %add3A_108 = arith.constant 1 : i32
        %add3A_109 = arith.addi %mul3A_107, %add3A_108 : i32
        %slice3A_110 = vector.extract_strided_slice %get3A_61 {offsets = [1], sizes = [1], strides = [1]} : vector<16xf32> to vector<1xf32>
        %squeeze3A_111 = vector.extract %slice3A_110[0] : f32 from vector<1xf32>
        %broadcast_in_dim3A_112 = vector.broadcast %squeeze3A_111 : f32 to vector<16xf32>
        %get3A_113 = arith.index_cast %add3A_109 : i32 to index
        %get3A_114 = arith.constant 0 : index
        %get3A_115 = tpu.vector_load %arg11[%get3A_113, %get3A_114] {strides = array<i32>} : memref<80x64xf32, #tpu.memory_space<vmem>>, vector<1x16xf32>,
        %get3A_116 = vector.shape_cast %get3A_115 : vector<1x16xf32> to vector<16xf32>
        %mul3A_117 = arith.mulf %get3A_116, %broadcast_in_dim3A_112 : vector<16xf32>
        %swap3A_118 = arith.index_cast %add3A_109 : i32 to index
        %swap3A_119 = arith.constant 0 : index
        %swap3A_120 = tpu.vector_load %arg11[%swap3A_118, %swap3A_119] {strides = array<i32>} : memref<80x64xf32, #tpu.memory_space<vmem>>, vector<1x16xf32>,
        %swap3A_121 = vector.shape_cast %swap3A_120 : vector<1x16xf32> to vector<16xf32>
        %swap3A_122 = vector.shape_cast %mul3A_117 : vector<16xf32> to vector<1x16xf32>
        tpu.vector_store %arg11[%swap3A_118, %swap3A_119], %swap3A_122 {strides = array<i32>} : memref<80x64xf32, #tpu.memory_space<vmem>>, vector<1x16xf32>,
        %get3A_123 = arith.index_cast %add3A_109 : i32 to index
        %get3A_124 = arith.constant 16 : index
        %get3A_125 = tpu.vector_load %arg11[%get3A_123, %get3A_124] {strides = array<i32>} : memref<80x64xf32, #tpu.memory_space<vmem>>, vector<1x16xf32>,
        %get3A_126 = vector.shape_cast %get3A_125 : vector<1x16xf32> to vector<16xf32>
        %mul3A_127 = arith.mulf %get3A_126, %broadcast_in_dim3A_112 : vector<16xf32>
        %swap3A_128 = arith.index_cast %add3A_109 : i32 to index
        %swap3A_129 = arith.constant 16 : index
        %swap3A_130 = tpu.vector_load %arg11[%swap3A_128, %swap3A_129] {strides = array<i32>} : memref<80x64xf32, #tpu.memory_space<vmem>>, vector<1x16xf32>,
        %swap3A_131 = vector.shape_cast %swap3A_130 : vector<1x16xf32> to vector<16xf32>
        %swap3A_132 = vector.shape_cast %mul3A_127 : vector<16xf32> to vector<1x16xf32>
        tpu.vector_store %arg11[%swap3A_128, %swap3A_129], %swap3A_132 {strides = array<i32>} : memref<80x64xf32, #tpu.memory_space<vmem>>, vector<1x16xf32>,
        %get3A_133 = arith.index_cast %add3A_109 : i32 to index
        %get3A_134 = arith.constant 32 : index
        %get3A_135 = tpu.vector_load %arg11[%get3A_133, %get3A_134] {strides = array<i32>} : memref<80x64xf32, #tpu.memory_space<vmem>>, vector<1x16xf32>,
        %get3A_136 = vector.shape_cast %get3A_135 : vector<1x16xf32> to vector<16xf32>
        %mul3A_137 = arith.mulf %get3A_136, %broadcast_in_dim3A_112 : vector<16xf32>
        %swap3A_138 = arith.index_cast %add3A_109 : i32 to index
        %swap3A_139 = arith.constant 32 : index
        %swap3A_140 = tpu.vector_load %arg11[%swap3A_138, %swap3A_139] {strides = array<i32>} : memref<80x64xf32, #tpu.memory_space<vmem>>, vector<1x16xf32>,
        %swap3A_141 = vector.shape_cast %swap3A_140 : vector<1x16xf32> to vector<16xf32>
        %swap3A_142 = vector.shape_cast %mul3A_137 : vector<16xf32> to vector<1x16xf32>
        tpu.vector_store %arg11[%swap3A_138, %swap3A_139], %swap3A_142 {strides = array<i32>} : memref<80x64xf32, #tpu.memory_space<vmem>>, vector<1x16xf32>,
        %get3A_143 = arith.index_cast %add3A_109 : i32 to index
        %get3A_144 = arith.constant 48 : index
        %get3A_145 = tpu.vector_load %arg11[%get3A_143, %get3A_144] {strides = array<i32>} : memref<80x64xf32, #tpu.memory_space<vmem>>, vector<1x16xf32>,
        %get3A_146 = vector.shape_cast %get3A_145 : vector<1x16xf32> to vector<16xf32>
        %mul3A_147 = arith.mulf %get3A_146, %broadcast_in_dim3A_112 : vector<16xf32>
        %swap3A_148 = arith.index_cast %add3A_109 : i32 to index
        %swap3A_149 = arith.constant 48 : index
        %swap3A_150 = tpu.vector_load %arg11[%swap3A_148, %swap3A_149] {strides = array<i32>} : memref<80x64xf32, #tpu.memory_space<vmem>>, vector<1x16xf32>,
        %swap3A_151 = vector.shape_cast %swap3A_150 : vector<1x16xf32> to vector<16xf32>
        %swap3A_152 = vector.shape_cast %mul3A_147 : vector<16xf32> to vector<1x16xf32>
        tpu.vector_store %arg11[%swap3A_148, %swap3A_149], %swap3A_152 {strides = array<i32>} : memref<80x64xf32, #tpu.memory_space<vmem>>, vector<1x16xf32>,
        %mul3A_153 = arith.constant 16 : i32
        %mul3A_154 = arith.muli %scan3A_57, %mul3A_153 : i32
        %add3A_155 = arith.constant 2 : i32
        %add3A_156 = arith.addi %mul3A_154, %add3A_155 : i32
        %slice3A_157 = vector.extract_strided_slice %get3A_61 {offsets = [2], sizes = [1], strides = [1]} : vector<16xf32> to vector<1xf32>
        %squeeze3A_158 = vector.extract %slice3A_157[0] : f32 from vector<1xf32>
        %broadcast_in_dim3A_159 = vector.broadcast %squeeze3A_158 : f32 to vector<16xf32>
        %get3A_160 = arith.index_cast %add3A_156 : i32 to index
        %get3A_161 = arith.constant 0 : index
        %get3A_162 = tpu.vector_load %arg11[%get3A_160, %get3A_161] {strides = array<i32>} : memref<80x64xf32, #tpu.memory_space<vmem>>, vector<1x16xf32>,
        %get3A_163 = vector.shape_cast %get3A_162 : vector<1x16xf32> to vector<16xf32>
        %mul3A_164 = arith.mulf %get3A_163, %broadcast_in_dim3A_159 : vector<16xf32>
        %swap3A_165 = arith.index_cast %add3A_156 : i32 to index
        %swap3A_166 = arith.constant 0 : index
        %swap3A_167 = tpu.vector_load %arg11[%swap3A_165, %swap3A_166] {strides = array<i32>} : memref<80x64xf32, #tpu.memory_space<vmem>>, vector<1x16xf32>,
        %swap3A_168 = vector.shape_cast %swap3A_167 : vector<1x16xf32> to vector<16xf32>
        %swap3A_169 = vector.shape_cast %mul3A_164 : vector<16xf32> to vector<1x16xf32>
        tpu.vector_store %arg11[%swap3A_165, %swap3A_166], %swap3A_169 {strides = array<i32>} : memref<80x64xf32, #tpu.memory_space<vmem>>, vector<1x16xf32>,
        %get3A_170 = arith.index_cast %add3A_156 : i32 to index
        %get3A_171 = arith.constant 16 : index
        %get3A_172 = tpu.vector_load %arg11[%get3A_170, %get3A_171] {strides = array<i32>} : memref<80x64xf32, #tpu.memory_space<vmem>>, vector<1x16xf32>,
        %get3A_173 = vector.shape_cast %get3A_172 : vector<1x16xf32> to vector<16xf32>
        %mul3A_174 = arith.mulf %get3A_173, %broadcast_in_dim3A_159 : vector<16xf32>
        %swap3A_175 = arith.index_cast %add3A_156 : i32 to index
        %swap3A_176 = arith.constant 16 : index
        %swap3A_177 = tpu.vector_load %arg11[%swap3A_175, %swap3A_176] {strides = array<i32>} : memref<80x64xf32, #tpu.memory_space<vmem>>, vector<1x16xf32>,
        %swap3A_178 = vector.shape_cast %swap3A_177 : vector<1x16xf32> to vector<16xf32>
        %swap3A_179 = vector.shape_cast %mul3A_174 : vector<16xf32> to vector<1x16xf32>
        tpu.vector_store %arg11[%swap3A_175, %swap3A_176], %swap3A_179 {strides = array<i32>} : memref<80x64xf32, #tpu.memory_space<vmem>>, vector<1x16xf32>,
        %get3A_180 = arith.index_cast %add3A_156 : i32 to index
        %get3A_181 = arith.constant 32 : index
        %get3A_182 = tpu.vector_load %arg11[%get3A_180, %get3A_181] {strides = array<i32>} : memref<80x64xf32, #tpu.memory_space<vmem>>, vector<1x16xf32>,
        %get3A_183 = vector.shape_cast %get3A_182 : vector<1x16xf32> to vector<16xf32>
        %mul3A_184 = arith.mulf %get3A_183, %broadcast_in_dim3A_159 : vector<16xf32>
        %swap3A_185 = arith.index_cast %add3A_156 : i32 to index
        %swap3A_186 = arith.constant 32 : index
        %swap3A_187 = tpu.vector_load %arg11[%swap3A_185, %swap3A_186] {strides = array<i32>} : memref<80x64xf32, #tpu.memory_space<vmem>>, vector<1x16xf32>,
        %swap3A_188 = vector.shape_cast %swap3A_187 : vector<1x16xf32> to vector<16xf32>
        %swap3A_189 = vector.shape_cast %mul3A_184 : vector<16xf32> to vector<1x16xf32>
        tpu.vector_store %arg11[%swap3A_185, %swap3A_186], %swap3A_189 {strides = array<i32>} : memref<80x64xf32, #tpu.memory_space<vmem>>, vector<1x16xf32>,
        %get3A_190 = arith.index_cast %add3A_156 : i32 to index
        %get3A_191 = arith.constant 48 : index
        %get3A_192 = tpu.vector_load %arg11[%get3A_190, %get3A_191] {strides = array<i32>} : memref<80x64xf32, #tpu.memory_space<vmem>>, vector<1x16xf32>,
        %get3A_193 = vector.shape_cast %get3A_192 : vector<1x16xf32> to vector<16xf32>
        %mul3A_194 = arith.mulf %get3A_193, %broadcast_in_dim3A_159 : vector<16xf32>
        %swap3A_195 = arith.index_cast %add3A_156 : i32 to index
        %swap3A_196 = arith.constant 48 : index
        %swap3A_197 = tpu.vector_load %arg11[%swap3A_195, %swap3A_196] {strides = array<i32>} : memref<80x64xf32, #tpu.memory_space<vmem>>, vector<1x16xf32>,
        %swap3A_198 = vector.shape_cast %swap3A_197 : vector<1x16xf32> to vector<16xf32>
        %swap3A_199 = vector.shape_cast %mul3A_194 : vector<16xf32> to vector<1x16xf32>
        tpu.vector_store %arg11[%swap3A_195, %swap3A_196], %swap3A_199 {strides = array<i32>} : memref<80x64xf32, #tpu.memory_space<vmem>>, vector<1x16xf32>,
        %mul3A_200 = arith.constant 16 : i32
        %mul3A_201 = arith.muli %scan3A_57, %mul3A_200 : i32
        %add3A_202 = arith.constant 3 : i32
        %add3A_203 = arith.addi %mul3A_201, %add3A_202 : i32
        %slice3A_204 = vector.extract_strided_slice %get3A_61 {offsets = [3], sizes = [1], strides = [1]} : vector<16xf32> to vector<1xf32>
        %squeeze3A_205 = vector.extract %slice3A_204[0] : f32 from vector<1xf32>
        %broadcast_in_dim3A_206 = vector.broadcast %squeeze3A_205 : f32 to vector<16xf32>
        %get3A_207 = arith.index_cast %add3A_203 : i32 to index
        %get3A_208 = arith.constant 0 : index
        %get3A_209 = tpu.vector_load %arg11[%get3A_207, %get3A_208] {strides = array<i32>} : memref<80x64xf32, #tpu.memory_space<vmem>>, vector<1x16xf32>,
        %get3A_210 = vector.shape_cast %get3A_209 : vector<1x16xf32> to vector<16xf32>
        %mul3A_211 = arith.mulf %get3A_210, %broadcast_in_dim3A_206 : vector<16xf32>
        %swap3A_212 = arith.index_cast %add3A_203 : i32 to index
        %swap3A_213 = arith.constant 0 : index
        %swap3A_214 = tpu.vector_load %arg11[%swap3A_212, %swap3A_213] {strides = array<i32>} : memref<80x64xf32, #tpu.memory_space<vmem>>, vector<1x16xf32>,
        %swap3A_215 = vector.shape_cast %swap3A_214 : vector<1x16xf32> to vector<16xf32>
        %swap3A_216 = vector.shape_cast %mul3A_211 : vector<16xf32> to vector<1x16xf32>
        tpu.vector_store %arg11[%swap3A_212, %swap3A_213], %swap3A_216 {strides = array<i32>} : memref<80x64xf32, #tpu.memory_space<vmem>>, vector<1x16xf32>,
        %get3A_217 = arith.index_cast %add3A_203 : i32 to index
        %get3A_218 = arith.constant 16 : index
        %get3A_219 = tpu.vector_load %arg11[%get3A_217, %get3A_218] {strides = array<i32>} : memref<80x64xf32, #tpu.memory_space<vmem>>, vector<1x16xf32>,
        %get3A_220 = vector.shape_cast %get3A_219 : vector<1x16xf32> to vector<16xf32>
        %mul3A_221 = arith.mulf %get3A_220, %broadcast_in_dim3A_206 : vector<16xf32>
        %swap3A_222 = arith.index_cast %add3A_203 : i32 to index
        %swap3A_223 = arith.constant 16 : index
        %swap3A_224 = tpu.vector_load %arg11[%swap3A_222, %swap3A_223] {strides = array<i32>} : memref<80x64xf32, #tpu.memory_space<vmem>>, vector<1x16xf32>,
        %swap3A_225 = vector.shape_cast %swap3A_224 : vector<1x16xf32> to vector<16xf32>
        %swap3A_226 = vector.shape_cast %mul3A_221 : vector<16xf32> to vector<1x16xf32>
        tpu.vector_store %arg11[%swap3A_222, %swap3A_223], %swap3A_226 {strides = array<i32>} : memref<80x64xf32, #tpu.memory_space<vmem>>, vector<1x16xf32>,
        %get3A_227 = arith.index_cast %add3A_203 : i32 to index
        %get3A_228 = arith.constant 32 : index
        %get3A_229 = tpu.vector_load %arg11[%get3A_227, %get3A_228] {strides = array<i32>} : memref<80x64xf32, #tpu.memory_space<vmem>>, vector<1x16xf32>,
        %get3A_230 = vector.shape_cast %get3A_229 : vector<1x16xf32> to vector<16xf32>
        %mul3A_231 = arith.mulf %get3A_230, %broadcast_in_dim3A_206 : vector<16xf32>
        %swap3A_232 = arith.index_cast %add3A_203 : i32 to index
        %swap3A_233 = arith.constant 32 : index
        %swap3A_234 = tpu.vector_load %arg11[%swap3A_232, %swap3A_233] {strides = array<i32>} : memref<80x64xf32, #tpu.memory_space<vmem>>, vector<1x16xf32>,
        %swap3A_235 = vector.shape_cast %swap3A_234 : vector<1x16xf32> to vector<16xf32>
        %swap3A_236 = vector.shape_cast %mul3A_231 : vector<16xf32> to vector<1x16xf32>
        tpu.vector_store %arg11[%swap3A_232, %swap3A_233], %swap3A_236 {strides = array<i32>} : memref<80x64xf32, #tpu.memory_space<vmem>>, vector<1x16xf32>,
        %get3A_237 = arith.index_cast %add3A_203 : i32 to index
        %get3A_238 = arith.constant 48 : index
        %get3A_239 = tpu.vector_load %arg11[%get3A_237, %get3A_238] {strides = array<i32>} : memref<80x64xf32, #tpu.memory_space<vmem>>, vector<1x16xf32>,
        %get3A_240 = vector.shape_cast %get3A_239 : vector<1x16xf32> to vector<16xf32>
        %mul3A_241 = arith.mulf %get3A_240, %broadcast_in_dim3A_206 : vector<16xf32>
        %swap3A_242 = arith.index_cast %add3A_203 : i32 to index
        %swap3A_243 = arith.constant 48 : index
        %swap3A_244 = tpu.vector_load %arg11[%swap3A_242, %swap3A_243] {strides = array<i32>} : memref<80x64xf32, #tpu.memory_space<vmem>>, vector<1x16xf32>,
        %swap3A_245 = vector.shape_cast %swap3A_244 : vector<1x16xf32> to vector<16xf32>
        %swap3A_246 = vector.shape_cast %mul3A_241 : vector<16xf32> to vector<1x16xf32>
        tpu.vector_store %arg11[%swap3A_242, %swap3A_243], %swap3A_246 {strides = array<i32>} : memref<80x64xf32, #tpu.memory_space<vmem>>, vector<1x16xf32>,
        %mul3A_247 = arith.constant 16 : i32
        %mul3A_248 = arith.muli %scan3A_57, %mul3A_247 : i32
        %add3A_249 = arith.constant 4 : i32
        %add3A_250 = arith.addi %mul3A_248, %add3A_249 : i32
        %slice3A_251 = vector.extract_strided_slice %get3A_61 {offsets = [4], sizes = [1], strides = [1]} : vector<16xf32> to vector<1xf32>
        %squeeze3A_252 = vector.extract %slice3A_251[0] : f32 from vector<1xf32>
        %broadcast_in_dim3A_253 = vector.broadcast %squeeze3A_252 : f32 to vector<16xf32>
        %get3A_254 = arith.index_cast %add3A_250 : i32 to index
        %get3A_255 = arith.constant 0 : index
        %get3A_256 = tpu.vector_load %arg11[%get3A_254, %get3A_255] {strides = array<i32>} : memref<80x64xf32, #tpu.memory_space<vmem>>, vector<1x16xf32>,
        %get3A_257 = vector.shape_cast %get3A_256 : vector<1x16xf32> to vector<16xf32>
        %mul3A_258 = arith.mulf %get3A_257, %broadcast_in_dim3A_253 : vector<16xf32>
        %swap3A_259 = arith.index_cast %add3A_250 : i32 to index
        %swap3A_260 = arith.constant 0 : index
        %swap3A_261 = tpu.vector_load %arg11[%swap3A_259, %swap3A_260] {strides = array<i32>} : memref<80x64xf32, #tpu.memory_space<vmem>>, vector<1x16xf32>,
        %swap3A_262 = vector.shape_cast %swap3A_261 : vector<1x16xf32> to vector<16xf32>
        %swap3A_263 = vector.shape_cast %mul3A_258 : vector<16xf32> to vector<1x16xf32>
        tpu.vector_store %arg11[%swap3A_259, %swap3A_260], %swap3A_263 {strides = array<i32>} : memref<80x64xf32, #tpu.memory_space<vmem>>, vector<1x16xf32>,
        %get3A_264 = arith.index_cast %add3A_250 : i32 to index
        %get3A_265 = arith.constant 16 : index
        %get3A_266 = tpu.vector_load %arg11[%get3A_264, %get3A_265] {strides = array<i32>} : memref<80x64xf32, #tpu.memory_space<vmem>>, vector<1x16xf32>,
        %get3A_267 = vector.shape_cast %get3A_266 : vector<1x16xf32> to vector<16xf32>
        %mul3A_268 = arith.mulf %get3A_267, %broadcast_in_dim3A_253 : vector<16xf32>
        %swap3A_269 = arith.index_cast %add3A_250 : i32 to index
        %swap3A_270 = arith.constant 16 : index
        %swap3A_271 = tpu.vector_load %arg11[%swap3A_269, %swap3A_270] {strides = array<i32>} : memref<80x64xf32, #tpu.memory_space<vmem>>, vector<1x16xf32>,
        %swap3A_272 = vector.shape_cast %swap3A_271 : vector<1x16xf32> to vector<16xf32>
        %swap3A_273 = vector.shape_cast %mul3A_268 : vector<16xf32> to vector<1x16xf32>
        tpu.vector_store %arg11[%swap3A_269, %swap3A_270], %swap3A_273 {strides = array<i32>} : memref<80x64xf32, #tpu.memory_space<vmem>>, vector<1x16xf32>,
        %get3A_274 = arith.index_cast %add3A_250 : i32 to index
        %get3A_275 = arith.constant 32 : index
        %get3A_276 = tpu.vector_load %arg11[%get3A_274, %get3A_275] {strides = array<i32>} : memref<80x64xf32, #tpu.memory_space<vmem>>, vector<1x16xf32>,
        %get3A_277 = vector.shape_cast %get3A_276 : vector<1x16xf32> to vector<16xf32>
        %mul3A_278 = arith.mulf %get3A_277, %broadcast_in_dim3A_253 : vector<16xf32>
        %swap3A_279 = arith.index_cast %add3A_250 : i32 to index
        %swap3A_280 = arith.constant 32 : index
        %swap3A_281 = tpu.vector_load %arg11[%swap3A_279, %swap3A_280] {strides = array<i32>} : memref<80x64xf32, #tpu.memory_space<vmem>>, vector<1x16xf32>,
        %swap3A_282 = vector.shape_cast %swap3A_281 : vector<1x16xf32> to vector<16xf32>
        %swap3A_283 = vector.shape_cast %mul3A_278 : vector<16xf32> to vector<1x16xf32>
        tpu.vector_store %arg11[%swap3A_279, %swap3A_280], %swap3A_283 {strides = array<i32>} : memref<80x64xf32, #tpu.memory_space<vmem>>, vector<1x16xf32>,
        %get3A_284 = arith.index_cast %add3A_250 : i32 to index
        %get3A_285 = arith.constant 48 : index
        %get3A_286 = tpu.vector_load %arg11[%get3A_284, %get3A_285] {strides = array<i32>} : memref<80x64xf32, #tpu.memory_space<vmem>>, vector<1x16xf32>,
        %get3A_287 = vector.shape_cast %get3A_286 : vector<1x16xf32> to vector<16xf32>
        %mul3A_288 = arith.mulf %get3A_287, %broadcast_in_dim3A_253 : vector<16xf32>
        %swap3A_289 = arith.index_cast %add3A_250 : i32 to index
        %swap3A_290 = arith.constant 48 : index
        %swap3A_291 = tpu.vector_load %arg11[%swap3A_289, %swap3A_290] {strides = array<i32>} : memref<80x64xf32, #tpu.memory_space<vmem>>, vector<1x16xf32>,
        %swap3A_292 = vector.shape_cast %swap3A_291 : vector<1x16xf32> to vector<16xf32>
        %swap3A_293 = vector.shape_cast %mul3A_288 : vector<16xf32> to vector<1x16xf32>
        tpu.vector_store %arg11[%swap3A_289, %swap3A_290], %swap3A_293 {strides = array<i32>} : memref<80x64xf32, #tpu.memory_space<vmem>>, vector<1x16xf32>,
        %mul3A_294 = arith.constant 16 : i32
        %mul3A_295 = arith.muli %scan3A_57, %mul3A_294 : i32
        %add3A_296 = arith.constant 5 : i32
        %add3A_297 = arith.addi %mul3A_295, %add3A_296 : i32
        %slice3A_298 = vector.extract_strided_slice %get3A_61 {offsets = [5], sizes = [1], strides = [1]} : vector<16xf32> to vector<1xf32>
        %squeeze3A_299 = vector.extract %slice3A_298[0] : f32 from vector<1xf32>
        %broadcast_in_dim3A_300 = vector.broadcast %squeeze3A_299 : f32 to vector<16xf32>
        %get3A_301 = arith.index_cast %add3A_297 : i32 to index
        %get3A_302 = arith.constant 0 : index
        %get3A_303 = tpu.vector_load %arg11[%get3A_301, %get3A_302] {strides = array<i32>} : memref<80x64xf32, #tpu.memory_space<vmem>>, vector<1x16xf32>,
        %get3A_304 = vector.shape_cast %get3A_303 : vector<1x16xf32> to vector<16xf32>
        %mul3A_305 = arith.mulf %get3A_304, %broadcast_in_dim3A_300 : vector<16xf32>
        %swap3A_306 = arith.index_cast %add3A_297 : i32 to index
        %swap3A_307 = arith.constant 0 : index
        %swap3A_308 = tpu.vector_load %arg11[%swap3A_306, %swap3A_307] {strides = array<i32>} : memref<80x64xf32, #tpu.memory_space<vmem>>, vector<1x16xf32>,
        %swap3A_309 = vector.shape_cast %swap3A_308 : vector<1x16xf32> to vector<16xf32>
        %swap3A_310 = vector.shape_cast %mul3A_305 : vector<16xf32> to vector<1x16xf32>
        tpu.vector_store %arg11[%swap3A_306, %swap3A_307], %swap3A_310 {strides = array<i32>} : memref<80x64xf32, #tpu.memory_space<vmem>>, vector<1x16xf32>,
        %get3A_311 = arith.index_cast %add3A_297 : i32 to index
        %get3A_312 = arith.constant 16 : index
        %get3A_313 = tpu.vector_load %arg11[%get3A_311, %get3A_312] {strides = array<i32>} : memref<80x64xf32, #tpu.memory_space<vmem>>, vector<1x16xf32>,
        %get3A_314 = vector.shape_cast %get3A_313 : vector<1x16xf32> to vector<16xf32>
        %mul3A_315 = arith.mulf %get3A_314, %broadcast_in_dim3A_300 : vector<16xf32>
        %swap3A_316 = arith.index_cast %add3A_297 : i32 to index
        %swap3A_317 = arith.constant 16 : index
        %swap3A_318 = tpu.vector_load %arg11[%swap3A_316, %swap3A_317] {strides = array<i32>} : memref<80x64xf32, #tpu.memory_space<vmem>>, vector<1x16xf32>,
        %swap3A_319 = vector.shape_cast %swap3A_318 : vector<1x16xf32> to vector<16xf32>
        %swap3A_320 = vector.shape_cast %mul3A_315 : vector<16xf32> to vector<1x16xf32>
        tpu.vector_store %arg11[%swap3A_316, %swap3A_317], %swap3A_320 {strides = array<i32>} : memref<80x64xf32, #tpu.memory_space<vmem>>, vector<1x16xf32>,
        %get3A_321 = arith.index_cast %add3A_297 : i32 to index
        %get3A_322 = arith.constant 32 : index
        %get3A_323 = tpu.vector_load %arg11[%get3A_321, %get3A_322] {strides = array<i32>} : memref<80x64xf32, #tpu.memory_space<vmem>>, vector<1x16xf32>,
        %get3A_324 = vector.shape_cast %get3A_323 : vector<1x16xf32> to vector<16xf32>
        %mul3A_325 = arith.mulf %get3A_324, %broadcast_in_dim3A_300 : vector<16xf32>
        %swap3A_326 = arith.index_cast %add3A_297 : i32 to index
        %swap3A_327 = arith.constant 32 : index
        %swap3A_328 = tpu.vector_load %arg11[%swap3A_326, %swap3A_327] {strides = array<i32>} : memref<80x64xf32, #tpu.memory_space<vmem>>, vector<1x16xf32>,
        %swap3A_329 = vector.shape_cast %swap3A_328 : vector<1x16xf32> to vector<16xf32>
        %swap3A_330 = vector.shape_cast %mul3A_325 : vector<16xf32> to vector<1x16xf32>
        tpu.vector_store %arg11[%swap3A_326, %swap3A_327], %swap3A_330 {strides = array<i32>} : memref<80x64xf32, #tpu.memory_space<vmem>>, vector<1x16xf32>,
        %get3A_331 = arith.index_cast %add3A_297 : i32 to index
        %get3A_332 = arith.constant 48 : index
        %get3A_333 = tpu.vector_load %arg11[%get3A_331, %get3A_332] {strides = array<i32>} : memref<80x64xf32, #tpu.memory_space<vmem>>, vector<1x16xf32>,
        %get3A_334 = vector.shape_cast %get3A_333 : vector<1x16xf32> to vector<16xf32>
        %mul3A_335 = arith.mulf %get3A_334, %broadcast_in_dim3A_300 : vector<16xf32>
        %swap3A_336 = arith.index_cast %add3A_297 : i32 to index
        %swap3A_337 = arith.constant 48 : index
        %swap3A_338 = tpu.vector_load %arg11[%swap3A_336, %swap3A_337] {strides = array<i32>} : memref<80x64xf32, #tpu.memory_space<vmem>>, vector<1x16xf32>,
        %swap3A_339 = vector.shape_cast %swap3A_338 : vector<1x16xf32> to vector<16xf32>
        %swap3A_340 = vector.shape_cast %mul3A_335 : vector<16xf32> to vector<1x16xf32>
        tpu.vector_store %arg11[%swap3A_336, %swap3A_337], %swap3A_340 {strides = array<i32>} : memref<80x64xf32, #tpu.memory_space<vmem>>, vector<1x16xf32>,
        %mul3A_341 = arith.constant 16 : i32
        %mul3A_342 = arith.muli %scan3A_57, %mul3A_341 : i32
        %add3A_343 = arith.constant 6 : i32
        %add3A_344 = arith.addi %mul3A_342, %add3A_343 : i32
        %slice3A_345 = vector.extract_strided_slice %get3A_61 {offsets = [6], sizes = [1], strides = [1]} : vector<16xf32> to vector<1xf32>
        %squeeze3A_346 = vector.extract %slice3A_345[0] : f32 from vector<1xf32>
        %broadcast_in_dim3A_347 = vector.broadcast %squeeze3A_346 : f32 to vector<16xf32>
        %get3A_348 = arith.index_cast %add3A_344 : i32 to index
        %get3A_349 = arith.constant 0 : index
        %get3A_350 = tpu.vector_load %arg11[%get3A_348, %get3A_349] {strides = array<i32>} : memref<80x64xf32, #tpu.memory_space<vmem>>, vector<1x16xf32>,
        %get3A_351 = vector.shape_cast %get3A_350 : vector<1x16xf32> to vector<16xf32>
        %mul3A_352 = arith.mulf %get3A_351, %broadcast_in_dim3A_347 : vector<16xf32>
        %swap3A_353 = arith.index_cast %add3A_344 : i32 to index
        %swap3A_354 = arith.constant 0 : index
        %swap3A_355 = tpu.vector_load %arg11[%swap3A_353, %swap3A_354] {strides = array<i32>} : memref<80x64xf32, #tpu.memory_space<vmem>>, vector<1x16xf32>,
        %swap3A_356 = vector.shape_cast %swap3A_355 : vector<1x16xf32> to vector<16xf32>
        %swap3A_357 = vector.shape_cast %mul3A_352 : vector<16xf32> to vector<1x16xf32>
        tpu.vector_store %arg11[%swap3A_353, %swap3A_354], %swap3A_357 {strides = array<i32>} : memref<80x64xf32, #tpu.memory_space<vmem>>, vector<1x16xf32>,
        %get3A_358 = arith.index_cast %add3A_344 : i32 to index
        %get3A_359 = arith.constant 16 : index
        %get3A_360 = tpu.vector_load %arg11[%get3A_358, %get3A_359] {strides = array<i32>} : memref<80x64xf32, #tpu.memory_space<vmem>>, vector<1x16xf32>,
        %get3A_361 = vector.shape_cast %get3A_360 : vector<1x16xf32> to vector<16xf32>
        %mul3A_362 = arith.mulf %get3A_361, %broadcast_in_dim3A_347 : vector<16xf32>
        %swap3A_363 = arith.index_cast %add3A_344 : i32 to index
        %swap3A_364 = arith.constant 16 : index
        %swap3A_365 = tpu.vector_load %arg11[%swap3A_363, %swap3A_364] {strides = array<i32>} : memref<80x64xf32, #tpu.memory_space<vmem>>, vector<1x16xf32>,
        %swap3A_366 = vector.shape_cast %swap3A_365 : vector<1x16xf32> to vector<16xf32>
        %swap3A_367 = vector.shape_cast %mul3A_362 : vector<16xf32> to vector<1x16xf32>
        tpu.vector_store %arg11[%swap3A_363, %swap3A_364], %swap3A_367 {strides = array<i32>} : memref<80x64xf32, #tpu.memory_space<vmem>>, vector<1x16xf32>,
        %get3A_368 = arith.index_cast %add3A_344 : i32 to index
        %get3A_369 = arith.constant 32 : index
        %get3A_370 = tpu.vector_load %arg11[%get3A_368, %get3A_369] {strides = array<i32>} : memref<80x64xf32, #tpu.memory_space<vmem>>, vector<1x16xf32>,
        %get3A_371 = vector.shape_cast %get3A_370 : vector<1x16xf32> to vector<16xf32>
        %mul3A_372 = arith.mulf %get3A_371, %broadcast_in_dim3A_347 : vector<16xf32>
        %swap3A_373 = arith.index_cast %add3A_344 : i32 to index
        %swap3A_374 = arith.constant 32 : index
        %swap3A_375 = tpu.vector_load %arg11[%swap3A_373, %swap3A_374] {strides = array<i32>} : memref<80x64xf32, #tpu.memory_space<vmem>>, vector<1x16xf32>,
        %swap3A_376 = vector.shape_cast %swap3A_375 : vector<1x16xf32> to vector<16xf32>
        %swap3A_377 = vector.shape_cast %mul3A_372 : vector<16xf32> to vector<1x16xf32>
        tpu.vector_store %arg11[%swap3A_373, %swap3A_374], %swap3A_377 {strides = array<i32>} : memref<80x64xf32, #tpu.memory_space<vmem>>, vector<1x16xf32>,
        %get3A_378 = arith.index_cast %add3A_344 : i32 to index
        %get3A_379 = arith.constant 48 : index
        %get3A_380 = tpu.vector_load %arg11[%get3A_378, %get3A_379] {strides = array<i32>} : memref<80x64xf32, #tpu.memory_space<vmem>>, vector<1x16xf32>,
        %get3A_381 = vector.shape_cast %get3A_380 : vector<1x16xf32> to vector<16xf32>
        %mul3A_382 = arith.mulf %get3A_381, %broadcast_in_dim3A_347 : vector<16xf32>
        %swap3A_383 = arith.index_cast %add3A_344 : i32 to index
        %swap3A_384 = arith.constant 48 : index
        %swap3A_385 = tpu.vector_load %arg11[%swap3A_383, %swap3A_384] {strides = array<i32>} : memref<80x64xf32, #tpu.memory_space<vmem>>, vector<1x16xf32>,
        %swap3A_386 = vector.shape_cast %swap3A_385 : vector<1x16xf32> to vector<16xf32>
        %swap3A_387 = vector.shape_cast %mul3A_382 : vector<16xf32> to vector<1x16xf32>
        tpu.vector_store %arg11[%swap3A_383, %swap3A_384], %swap3A_387 {strides = array<i32>} : memref<80x64xf32, #tpu.memory_space<vmem>>, vector<1x16xf32>,
        %mul3A_388 = arith.constant 16 : i32
        %mul3A_389 = arith.muli %scan3A_57, %mul3A_388 : i32
        %add3A_390 = arith.constant 7 : i32
        %add3A_391 = arith.addi %mul3A_389, %add3A_390 : i32
        %slice3A_392 = vector.extract_strided_slice %get3A_61 {offsets = [7], sizes = [1], strides = [1]} : vector<16xf32> to vector<1xf32>
        %squeeze3A_393 = vector.extract %slice3A_392[0] : f32 from vector<1xf32>
        %broadcast_in_dim3A_394 = vector.broadcast %squeeze3A_393 : f32 to vector<16xf32>
        %get3A_395 = arith.index_cast %add3A_391 : i32 to index
        %get3A_396 = arith.constant 0 : index
        %get3A_397 = tpu.vector_load %arg11[%get3A_395, %get3A_396] {strides = array<i32>} : memref<80x64xf32, #tpu.memory_space<vmem>>, vector<1x16xf32>,
        %get3A_398 = vector.shape_cast %get3A_397 : vector<1x16xf32> to vector<16xf32>
        %mul3A_399 = arith.mulf %get3A_398, %broadcast_in_dim3A_394 : vector<16xf32>
        %swap3A_400 = arith.index_cast %add3A_391 : i32 to index
        %swap3A_401 = arith.constant 0 : index
        %swap3A_402 = tpu.vector_load %arg11[%swap3A_400, %swap3A_401] {strides = array<i32>} : memref<80x64xf32, #tpu.memory_space<vmem>>, vector<1x16xf32>,
        %swap3A_403 = vector.shape_cast %swap3A_402 : vector<1x16xf32> to vector<16xf32>
        %swap3A_404 = vector.shape_cast %mul3A_399 : vector<16xf32> to vector<1x16xf32>
        tpu.vector_store %arg11[%swap3A_400, %swap3A_401], %swap3A_404 {strides = array<i32>} : memref<80x64xf32, #tpu.memory_space<vmem>>, vector<1x16xf32>,
        %get3A_405 = arith.index_cast %add3A_391 : i32 to index
        %get3A_406 = arith.constant 16 : index
        %get3A_407 = tpu.vector_load %arg11[%get3A_405, %get3A_406] {strides = array<i32>} : memref<80x64xf32, #tpu.memory_space<vmem>>, vector<1x16xf32>,
        %get3A_408 = vector.shape_cast %get3A_407 : vector<1x16xf32> to vector<16xf32>
        %mul3A_409 = arith.mulf %get3A_408, %broadcast_in_dim3A_394 : vector<16xf32>
        %swap3A_410 = arith.index_cast %add3A_391 : i32 to index
        %swap3A_411 = arith.constant 16 : index
        %swap3A_412 = tpu.vector_load %arg11[%swap3A_410, %swap3A_411] {strides = array<i32>} : memref<80x64xf32, #tpu.memory_space<vmem>>, vector<1x16xf32>,
        %swap3A_413 = vector.shape_cast %swap3A_412 : vector<1x16xf32> to vector<16xf32>
        %swap3A_414 = vector.shape_cast %mul3A_409 : vector<16xf32> to vector<1x16xf32>
        tpu.vector_store %arg11[%swap3A_410, %swap3A_411], %swap3A_414 {strides = array<i32>} : memref<80x64xf32, #tpu.memory_space<vmem>>, vector<1x16xf32>,
        %get3A_415 = arith.index_cast %add3A_391 : i32 to index
        %get3A_416 = arith.constant 32 : index
        %get3A_417 = tpu.vector_load %arg11[%get3A_415, %get3A_416] {strides = array<i32>} : memref<80x64xf32, #tpu.memory_space<vmem>>, vector<1x16xf32>,
        %get3A_418 = vector.shape_cast %get3A_417 : vector<1x16xf32> to vector<16xf32>
        %mul3A_419 = arith.mulf %get3A_418, %broadcast_in_dim3A_394 : vector<16xf32>
        %swap3A_420 = arith.index_cast %add3A_391 : i32 to index
        %swap3A_421 = arith.constant 32 : index
        %swap3A_422 = tpu.vector_load %arg11[%swap3A_420, %swap3A_421] {strides = array<i32>} : memref<80x64xf32, #tpu.memory_space<vmem>>, vector<1x16xf32>,
        %swap3A_423 = vector.shape_cast %swap3A_422 : vector<1x16xf32> to vector<16xf32>
        %swap3A_424 = vector.shape_cast %mul3A_419 : vector<16xf32> to vector<1x16xf32>
        tpu.vector_store %arg11[%swap3A_420, %swap3A_421], %swap3A_424 {strides = array<i32>} : memref<80x64xf32, #tpu.memory_space<vmem>>, vector<1x16xf32>,
        %get3A_425 = arith.index_cast %add3A_391 : i32 to index
        %get3A_426 = arith.constant 48 : index
        %get3A_427 = tpu.vector_load %arg11[%get3A_425, %get3A_426] {strides = array<i32>} : memref<80x64xf32, #tpu.memory_space<vmem>>, vector<1x16xf32>,
        %get3A_428 = vector.shape_cast %get3A_427 : vector<1x16xf32> to vector<16xf32>
        %mul3A_429 = arith.mulf %get3A_428, %broadcast_in_dim3A_394 : vector<16xf32>
        %swap3A_430 = arith.index_cast %add3A_391 : i32 to index
        %swap3A_431 = arith.constant 48 : index
        %swap3A_432 = tpu.vector_load %arg11[%swap3A_430, %swap3A_431] {strides = array<i32>} : memref<80x64xf32, #tpu.memory_space<vmem>>, vector<1x16xf32>,
        %swap3A_433 = vector.shape_cast %swap3A_432 : vector<1x16xf32> to vector<16xf32>
        %swap3A_434 = vector.shape_cast %mul3A_429 : vector<16xf32> to vector<1x16xf32>
        tpu.vector_store %arg11[%swap3A_430, %swap3A_431], %swap3A_434 {strides = array<i32>} : memref<80x64xf32, #tpu.memory_space<vmem>>, vector<1x16xf32>,
        %mul3A_435 = arith.constant 16 : i32
        %mul3A_436 = arith.muli %scan3A_57, %mul3A_435 : i32
        %add3A_437 = arith.constant 8 : i32
        %add3A_438 = arith.addi %mul3A_436, %add3A_437 : i32
        %slice3A_439 = vector.extract_strided_slice %get3A_61 {offsets = [8], sizes = [1], strides = [1]} : vector<16xf32> to vector<1xf32>
        %squeeze3A_440 = vector.extract %slice3A_439[0] : f32 from vector<1xf32>
        %broadcast_in_dim3A_441 = vector.broadcast %squeeze3A_440 : f32 to vector<16xf32>
        %get3A_442 = arith.index_cast %add3A_438 : i32 to index
        %get3A_443 = arith.constant 0 : index
        %get3A_444 = tpu.vector_load %arg11[%get3A_442, %get3A_443] {strides = array<i32>} : memref<80x64xf32, #tpu.memory_space<vmem>>, vector<1x16xf32>,
        %get3A_445 = vector.shape_cast %get3A_444 : vector<1x16xf32> to vector<16xf32>
        %mul3A_446 = arith.mulf %get3A_445, %broadcast_in_dim3A_441 : vector<16xf32>
        %swap3A_447 = arith.index_cast %add3A_438 : i32 to index
        %swap3A_448 = arith.constant 0 : index
        %swap3A_449 = tpu.vector_load %arg11[%swap3A_447, %swap3A_448] {strides = array<i32>} : memref<80x64xf32, #tpu.memory_space<vmem>>, vector<1x16xf32>,
        %swap3A_450 = vector.shape_cast %swap3A_449 : vector<1x16xf32> to vector<16xf32>
        %swap3A_451 = vector.shape_cast %mul3A_446 : vector<16xf32> to vector<1x16xf32>
        tpu.vector_store %arg11[%swap3A_447, %swap3A_448], %swap3A_451 {strides = array<i32>} : memref<80x64xf32, #tpu.memory_space<vmem>>, vector<1x16xf32>,
        %get3A_452 = arith.index_cast %add3A_438 : i32 to index
        %get3A_453 = arith.constant 16 : index
        %get3A_454 = tpu.vector_load %arg11[%get3A_452, %get3A_453] {strides = array<i32>} : memref<80x64xf32, #tpu.memory_space<vmem>>, vector<1x16xf32>,
        %get3A_455 = vector.shape_cast %get3A_454 : vector<1x16xf32> to vector<16xf32>
        %mul3A_456 = arith.mulf %get3A_455, %broadcast_in_dim3A_441 : vector<16xf32>
        %swap3A_457 = arith.index_cast %add3A_438 : i32 to index
        %swap3A_458 = arith.constant 16 : index
        %swap3A_459 = tpu.vector_load %arg11[%swap3A_457, %swap3A_458] {strides = array<i32>} : memref<80x64xf32, #tpu.memory_space<vmem>>, vector<1x16xf32>,
        %swap3A_460 = vector.shape_cast %swap3A_459 : vector<1x16xf32> to vector<16xf32>
        %swap3A_461 = vector.shape_cast %mul3A_456 : vector<16xf32> to vector<1x16xf32>
        tpu.vector_store %arg11[%swap3A_457, %swap3A_458], %swap3A_461 {strides = array<i32>} : memref<80x64xf32, #tpu.memory_space<vmem>>, vector<1x16xf32>,
        %get3A_462 = arith.index_cast %add3A_438 : i32 to index
        %get3A_463 = arith.constant 32 : index
        %get3A_464 = tpu.vector_load %arg11[%get3A_462, %get3A_463] {strides = array<i32>} : memref<80x64xf32, #tpu.memory_space<vmem>>, vector<1x16xf32>,
        %get3A_465 = vector.shape_cast %get3A_464 : vector<1x16xf32> to vector<16xf32>
        %mul3A_466 = arith.mulf %get3A_465, %broadcast_in_dim3A_441 : vector<16xf32>
        %swap3A_467 = arith.index_cast %add3A_438 : i32 to index
        %swap3A_468 = arith.constant 32 : index
        %swap3A_469 = tpu.vector_load %arg11[%swap3A_467, %swap3A_468] {strides = array<i32>} : memref<80x64xf32, #tpu.memory_space<vmem>>, vector<1x16xf32>,
        %swap3A_470 = vector.shape_cast %swap3A_469 : vector<1x16xf32> to vector<16xf32>
        %swap3A_471 = vector.shape_cast %mul3A_466 : vector<16xf32> to vector<1x16xf32>
        tpu.vector_store %arg11[%swap3A_467, %swap3A_468], %swap3A_471 {strides = array<i32>} : memref<80x64xf32, #tpu.memory_space<vmem>>, vector<1x16xf32>,
        %get3A_472 = arith.index_cast %add3A_438 : i32 to index
        %get3A_473 = arith.constant 48 : index
        %get3A_474 = tpu.vector_load %arg11[%get3A_472, %get3A_473] {strides = array<i32>} : memref<80x64xf32, #tpu.memory_space<vmem>>, vector<1x16xf32>,
        %get3A_475 = vector.shape_cast %get3A_474 : vector<1x16xf32> to vector<16xf32>
        %mul3A_476 = arith.mulf %get3A_475, %broadcast_in_dim3A_441 : vector<16xf32>
        %swap3A_477 = arith.index_cast %add3A_438 : i32 to index
        %swap3A_478 = arith.constant 48 : index
        %swap3A_479 = tpu.vector_load %arg11[%swap3A_477, %swap3A_478] {strides = array<i32>} : memref<80x64xf32, #tpu.memory_space<vmem>>, vector<1x16xf32>,
        %swap3A_480 = vector.shape_cast %swap3A_479 : vector<1x16xf32> to vector<16xf32>
        %swap3A_481 = vector.shape_cast %mul3A_476 : vector<16xf32> to vector<1x16xf32>
        tpu.vector_store %arg11[%swap3A_477, %swap3A_478], %swap3A_481 {strides = array<i32>} : memref<80x64xf32, #tpu.memory_space<vmem>>, vector<1x16xf32>,
        %mul3A_482 = arith.constant 16 : i32
        %mul3A_483 = arith.muli %scan3A_57, %mul3A_482 : i32
        %add3A_484 = arith.constant 9 : i32
        %add3A_485 = arith.addi %mul3A_483, %add3A_484 : i32
        %slice3A_486 = vector.extract_strided_slice %get3A_61 {offsets = [9], sizes = [1], strides = [1]} : vector<16xf32> to vector<1xf32>
        %squeeze3A_487 = vector.extract %slice3A_486[0] : f32 from vector<1xf32>
        %broadcast_in_dim3A_488 = vector.broadcast %squeeze3A_487 : f32 to vector<16xf32>
        %get3A_489 = arith.index_cast %add3A_485 : i32 to index
        %get3A_490 = arith.constant 0 : index
        %get3A_491 = tpu.vector_load %arg11[%get3A_489, %get3A_490] {strides = array<i32>} : memref<80x64xf32, #tpu.memory_space<vmem>>, vector<1x16xf32>,
        %get3A_492 = vector.shape_cast %get3A_491 : vector<1x16xf32> to vector<16xf32>
        %mul3A_493 = arith.mulf %get3A_492, %broadcast_in_dim3A_488 : vector<16xf32>
        %swap3A_494 = arith.index_cast %add3A_485 : i32 to index
        %swap3A_495 = arith.constant 0 : index
        %swap3A_496 = tpu.vector_load %arg11[%swap3A_494, %swap3A_495] {strides = array<i32>} : memref<80x64xf32, #tpu.memory_space<vmem>>, vector<1x16xf32>,
        %swap3A_497 = vector.shape_cast %swap3A_496 : vector<1x16xf32> to vector<16xf32>
        %swap3A_498 = vector.shape_cast %mul3A_493 : vector<16xf32> to vector<1x16xf32>
        tpu.vector_store %arg11[%swap3A_494, %swap3A_495], %swap3A_498 {strides = array<i32>} : memref<80x64xf32, #tpu.memory_space<vmem>>, vector<1x16xf32>,
        %get3A_499 = arith.index_cast %add3A_485 : i32 to index
        %get3A_500 = arith.constant 16 : index
        %get3A_501 = tpu.vector_load %arg11[%get3A_499, %get3A_500] {strides = array<i32>} : memref<80x64xf32, #tpu.memory_space<vmem>>, vector<1x16xf32>,
        %get3A_502 = vector.shape_cast %get3A_501 : vector<1x16xf32> to vector<16xf32>
        %mul3A_503 = arith.mulf %get3A_502, %broadcast_in_dim3A_488 : vector<16xf32>
        %swap3A_504 = arith.index_cast %add3A_485 : i32 to index
        %swap3A_505 = arith.constant 16 : index
        %swap3A_506 = tpu.vector_load %arg11[%swap3A_504, %swap3A_505] {strides = array<i32>} : memref<80x64xf32, #tpu.memory_space<vmem>>, vector<1x16xf32>,
        %swap3A_507 = vector.shape_cast %swap3A_506 : vector<1x16xf32> to vector<16xf32>
        %swap3A_508 = vector.shape_cast %mul3A_503 : vector<16xf32> to vector<1x16xf32>
        tpu.vector_store %arg11[%swap3A_504, %swap3A_505], %swap3A_508 {strides = array<i32>} : memref<80x64xf32, #tpu.memory_space<vmem>>, vector<1x16xf32>,
        %get3A_509 = arith.index_cast %add3A_485 : i32 to index
        %get3A_510 = arith.constant 32 : index
        %get3A_511 = tpu.vector_load %arg11[%get3A_509, %get3A_510] {strides = array<i32>} : memref<80x64xf32, #tpu.memory_space<vmem>>, vector<1x16xf32>,
        %get3A_512 = vector.shape_cast %get3A_511 : vector<1x16xf32> to vector<16xf32>
        %mul3A_513 = arith.mulf %get3A_512, %broadcast_in_dim3A_488 : vector<16xf32>
        %swap3A_514 = arith.index_cast %add3A_485 : i32 to index
        %swap3A_515 = arith.constant 32 : index
        %swap3A_516 = tpu.vector_load %arg11[%swap3A_514, %swap3A_515] {strides = array<i32>} : memref<80x64xf32, #tpu.memory_space<vmem>>, vector<1x16xf32>,
        %swap3A_517 = vector.shape_cast %swap3A_516 : vector<1x16xf32> to vector<16xf32>
        %swap3A_518 = vector.shape_cast %mul3A_513 : vector<16xf32> to vector<1x16xf32>
        tpu.vector_store %arg11[%swap3A_514, %swap3A_515], %swap3A_518 {strides = array<i32>} : memref<80x64xf32, #tpu.memory_space<vmem>>, vector<1x16xf32>,
        %get3A_519 = arith.index_cast %add3A_485 : i32 to index
        %get3A_520 = arith.constant 48 : index
        %get3A_521 = tpu.vector_load %arg11[%get3A_519, %get3A_520] {strides = array<i32>} : memref<80x64xf32, #tpu.memory_space<vmem>>, vector<1x16xf32>,
        %get3A_522 = vector.shape_cast %get3A_521 : vector<1x16xf32> to vector<16xf32>
        %mul3A_523 = arith.mulf %get3A_522, %broadcast_in_dim3A_488 : vector<16xf32>
        %swap3A_524 = arith.index_cast %add3A_485 : i32 to index
        %swap3A_525 = arith.constant 48 : index
        %swap3A_526 = tpu.vector_load %arg11[%swap3A_524, %swap3A_525] {strides = array<i32>} : memref<80x64xf32, #tpu.memory_space<vmem>>, vector<1x16xf32>,
        %swap3A_527 = vector.shape_cast %swap3A_526 : vector<1x16xf32> to vector<16xf32>
        %swap3A_528 = vector.shape_cast %mul3A_523 : vector<16xf32> to vector<1x16xf32>
        tpu.vector_store %arg11[%swap3A_524, %swap3A_525], %swap3A_528 {strides = array<i32>} : memref<80x64xf32, #tpu.memory_space<vmem>>, vector<1x16xf32>,
        %mul3A_529 = arith.constant 16 : i32
        %mul3A_530 = arith.muli %scan3A_57, %mul3A_529 : i32
        %add3A_531 = arith.constant 10 : i32
        %add3A_532 = arith.addi %mul3A_530, %add3A_531 : i32
        %slice3A_533 = vector.extract_strided_slice %get3A_61 {offsets = [10], sizes = [1], strides = [1]} : vector<16xf32> to vector<1xf32>
        %squeeze3A_534 = vector.extract %slice3A_533[0] : f32 from vector<1xf32>
        %broadcast_in_dim3A_535 = vector.broadcast %squeeze3A_534 : f32 to vector<16xf32>
        %get3A_536 = arith.index_cast %add3A_532 : i32 to index
        %get3A_537 = arith.constant 0 : index
        %get3A_538 = tpu.vector_load %arg11[%get3A_536, %get3A_537] {strides = array<i32>} : memref<80x64xf32, #tpu.memory_space<vmem>>, vector<1x16xf32>,
        %get3A_539 = vector.shape_cast %get3A_538 : vector<1x16xf32> to vector<16xf32>
        %mul3A_540 = arith.mulf %get3A_539, %broadcast_in_dim3A_535 : vector<16xf32>
        %swap3A_541 = arith.index_cast %add3A_532 : i32 to index
        %swap3A_542 = arith.constant 0 : index
        %swap3A_543 = tpu.vector_load %arg11[%swap3A_541, %swap3A_542] {strides = array<i32>} : memref<80x64xf32, #tpu.memory_space<vmem>>, vector<1x16xf32>,
        %swap3A_544 = vector.shape_cast %swap3A_543 : vector<1x16xf32> to vector<16xf32>
        %swap3A_545 = vector.shape_cast %mul3A_540 : vector<16xf32> to vector<1x16xf32>
        tpu.vector_store %arg11[%swap3A_541, %swap3A_542], %swap3A_545 {strides = array<i32>} : memref<80x64xf32, #tpu.memory_space<vmem>>, vector<1x16xf32>,
        %get3A_546 = arith.index_cast %add3A_532 : i32 to index
        %get3A_547 = arith.constant 16 : index
        %get3A_548 = tpu.vector_load %arg11[%get3A_546, %get3A_547] {strides = array<i32>} : memref<80x64xf32, #tpu.memory_space<vmem>>, vector<1x16xf32>,
        %get3A_549 = vector.shape_cast %get3A_548 : vector<1x16xf32> to vector<16xf32>
        %mul3A_550 = arith.mulf %get3A_549, %broadcast_in_dim3A_535 : vector<16xf32>
        %swap3A_551 = arith.index_cast %add3A_532 : i32 to index
        %swap3A_552 = arith.constant 16 : index
        %swap3A_553 = tpu.vector_load %arg11[%swap3A_551, %swap3A_552] {strides = array<i32>} : memref<80x64xf32, #tpu.memory_space<vmem>>, vector<1x16xf32>,
        %swap3A_554 = vector.shape_cast %swap3A_553 : vector<1x16xf32> to vector<16xf32>
        %swap3A_555 = vector.shape_cast %mul3A_550 : vector<16xf32> to vector<1x16xf32>
        tpu.vector_store %arg11[%swap3A_551, %swap3A_552], %swap3A_555 {strides = array<i32>} : memref<80x64xf32, #tpu.memory_space<vmem>>, vector<1x16xf32>,
        %get3A_556 = arith.index_cast %add3A_532 : i32 to index
        %get3A_557 = arith.constant 32 : index
        %get3A_558 = tpu.vector_load %arg11[%get3A_556, %get3A_557] {strides = array<i32>} : memref<80x64xf32, #tpu.memory_space<vmem>>, vector<1x16xf32>,
        %get3A_559 = vector.shape_cast %get3A_558 : vector<1x16xf32> to vector<16xf32>
        %mul3A_560 = arith.mulf %get3A_559, %broadcast_in_dim3A_535 : vector<16xf32>
        %swap3A_561 = arith.index_cast %add3A_532 : i32 to index
        %swap3A_562 = arith.constant 32 : index
        %swap3A_563 = tpu.vector_load %arg11[%swap3A_561, %swap3A_562] {strides = array<i32>} : memref<80x64xf32, #tpu.memory_space<vmem>>, vector<1x16xf32>,
        %swap3A_564 = vector.shape_cast %swap3A_563 : vector<1x16xf32> to vector<16xf32>
        %swap3A_565 = vector.shape_cast %mul3A_560 : vector<16xf32> to vector<1x16xf32>
        tpu.vector_store %arg11[%swap3A_561, %swap3A_562], %swap3A_565 {strides = array<i32>} : memref<80x64xf32, #tpu.memory_space<vmem>>, vector<1x16xf32>,
        %get3A_566 = arith.index_cast %add3A_532 : i32 to index
        %get3A_567 = arith.constant 48 : index
        %get3A_568 = tpu.vector_load %arg11[%get3A_566, %get3A_567] {strides = array<i32>} : memref<80x64xf32, #tpu.memory_space<vmem>>, vector<1x16xf32>,
        %get3A_569 = vector.shape_cast %get3A_568 : vector<1x16xf32> to vector<16xf32>
        %mul3A_570 = arith.mulf %get3A_569, %broadcast_in_dim3A_535 : vector<16xf32>
        %swap3A_571 = arith.index_cast %add3A_532 : i32 to index
        %swap3A_572 = arith.constant 48 : index
        %swap3A_573 = tpu.vector_load %arg11[%swap3A_571, %swap3A_572] {strides = array<i32>} : memref<80x64xf32, #tpu.memory_space<vmem>>, vector<1x16xf32>,
        %swap3A_574 = vector.shape_cast %swap3A_573 : vector<1x16xf32> to vector<16xf32>
        %swap3A_575 = vector.shape_cast %mul3A_570 : vector<16xf32> to vector<1x16xf32>
        tpu.vector_store %arg11[%swap3A_571, %swap3A_572], %swap3A_575 {strides = array<i32>} : memref<80x64xf32, #tpu.memory_space<vmem>>, vector<1x16xf32>,
        %mul3A_576 = arith.constant 16 : i32
        %mul3A_577 = arith.muli %scan3A_57, %mul3A_576 : i32
        %add3A_578 = arith.constant 11 : i32
        %add3A_579 = arith.addi %mul3A_577, %add3A_578 : i32
        %slice3A_580 = vector.extract_strided_slice %get3A_61 {offsets = [11], sizes = [1], strides = [1]} : vector<16xf32> to vector<1xf32>
        %squeeze3A_581 = vector.extract %slice3A_580[0] : f32 from vector<1xf32>
        %broadcast_in_dim3A_582 = vector.broadcast %squeeze3A_581 : f32 to vector<16xf32>
        %get3A_583 = arith.index_cast %add3A_579 : i32 to index
        %get3A_584 = arith.constant 0 : index
        %get3A_585 = tpu.vector_load %arg11[%get3A_583, %get3A_584] {strides = array<i32>} : memref<80x64xf32, #tpu.memory_space<vmem>>, vector<1x16xf32>,
        %get3A_586 = vector.shape_cast %get3A_585 : vector<1x16xf32> to vector<16xf32>
        %mul3A_587 = arith.mulf %get3A_586, %broadcast_in_dim3A_582 : vector<16xf32>
        %swap3A_588 = arith.index_cast %add3A_579 : i32 to index
        %swap3A_589 = arith.constant 0 : index
        %swap3A_590 = tpu.vector_load %arg11[%swap3A_588, %swap3A_589] {strides = array<i32>} : memref<80x64xf32, #tpu.memory_space<vmem>>, vector<1x16xf32>,
        %swap3A_591 = vector.shape_cast %swap3A_590 : vector<1x16xf32> to vector<16xf32>
        %swap3A_592 = vector.shape_cast %mul3A_587 : vector<16xf32> to vector<1x16xf32>
        tpu.vector_store %arg11[%swap3A_588, %swap3A_589], %swap3A_592 {strides = array<i32>} : memref<80x64xf32, #tpu.memory_space<vmem>>, vector<1x16xf32>,
        %get3A_593 = arith.index_cast %add3A_579 : i32 to index
        %get3A_594 = arith.constant 16 : index
        %get3A_595 = tpu.vector_load %arg11[%get3A_593, %get3A_594] {strides = array<i32>} : memref<80x64xf32, #tpu.memory_space<vmem>>, vector<1x16xf32>,
        %get3A_596 = vector.shape_cast %get3A_595 : vector<1x16xf32> to vector<16xf32>
        %mul3A_597 = arith.mulf %get3A_596, %broadcast_in_dim3A_582 : vector<16xf32>
        %swap3A_598 = arith.index_cast %add3A_579 : i32 to index
        %swap3A_599 = arith.constant 16 : index
        %swap3A_600 = tpu.vector_load %arg11[%swap3A_598, %swap3A_599] {strides = array<i32>} : memref<80x64xf32, #tpu.memory_space<vmem>>, vector<1x16xf32>,
        %swap3A_601 = vector.shape_cast %swap3A_600 : vector<1x16xf32> to vector<16xf32>
        %swap3A_602 = vector.shape_cast %mul3A_597 : vector<16xf32> to vector<1x16xf32>
        tpu.vector_store %arg11[%swap3A_598, %swap3A_599], %swap3A_602 {strides = array<i32>} : memref<80x64xf32, #tpu.memory_space<vmem>>, vector<1x16xf32>,
        %get3A_603 = arith.index_cast %add3A_579 : i32 to index
        %get3A_604 = arith.constant 32 : index
        %get3A_605 = tpu.vector_load %arg11[%get3A_603, %get3A_604] {strides = array<i32>} : memref<80x64xf32, #tpu.memory_space<vmem>>, vector<1x16xf32>,
        %get3A_606 = vector.shape_cast %get3A_605 : vector<1x16xf32> to vector<16xf32>
        %mul3A_607 = arith.mulf %get3A_606, %broadcast_in_dim3A_582 : vector<16xf32>
        %swap3A_608 = arith.index_cast %add3A_579 : i32 to index
        %swap3A_609 = arith.constant 32 : index
        %swap3A_610 = tpu.vector_load %arg11[%swap3A_608, %swap3A_609] {strides = array<i32>} : memref<80x64xf32, #tpu.memory_space<vmem>>, vector<1x16xf32>,
        %swap3A_611 = vector.shape_cast %swap3A_610 : vector<1x16xf32> to vector<16xf32>
        %swap3A_612 = vector.shape_cast %mul3A_607 : vector<16xf32> to vector<1x16xf32>
        tpu.vector_store %arg11[%swap3A_608, %swap3A_609], %swap3A_612 {strides = array<i32>} : memref<80x64xf32, #tpu.memory_space<vmem>>, vector<1x16xf32>,
        %get3A_613 = arith.index_cast %add3A_579 : i32 to index
        %get3A_614 = arith.constant 48 : index
        %get3A_615 = tpu.vector_load %arg11[%get3A_613, %get3A_614] {strides = array<i32>} : memref<80x64xf32, #tpu.memory_space<vmem>>, vector<1x16xf32>,
        %get3A_616 = vector.shape_cast %get3A_615 : vector<1x16xf32> to vector<16xf32>
        %mul3A_617 = arith.mulf %get3A_616, %broadcast_in_dim3A_582 : vector<16xf32>
        %swap3A_618 = arith.index_cast %add3A_579 : i32 to index
        %swap3A_619 = arith.constant 48 : index
        %swap3A_620 = tpu.vector_load %arg11[%swap3A_618, %swap3A_619] {strides = array<i32>} : memref<80x64xf32, #tpu.memory_space<vmem>>, vector<1x16xf32>,
        %swap3A_621 = vector.shape_cast %swap3A_620 : vector<1x16xf32> to vector<16xf32>
        %swap3A_622 = vector.shape_cast %mul3A_617 : vector<16xf32> to vector<1x16xf32>
        tpu.vector_store %arg11[%swap3A_618, %swap3A_619], %swap3A_622 {strides = array<i32>} : memref<80x64xf32, #tpu.memory_space<vmem>>, vector<1x16xf32>,
        %mul3A_623 = arith.constant 16 : i32
        %mul3A_624 = arith.muli %scan3A_57, %mul3A_623 : i32
        %add3A_625 = arith.constant 12 : i32
        %add3A_626 = arith.addi %mul3A_624, %add3A_625 : i32
        %slice3A_627 = vector.extract_strided_slice %get3A_61 {offsets = [12], sizes = [1], strides = [1]} : vector<16xf32> to vector<1xf32>
        %squeeze3A_628 = vector.extract %slice3A_627[0] : f32 from vector<1xf32>
        %broadcast_in_dim3A_629 = vector.broadcast %squeeze3A_628 : f32 to vector<16xf32>
        %get3A_630 = arith.index_cast %add3A_626 : i32 to index
        %get3A_631 = arith.constant 0 : index
        %get3A_632 = tpu.vector_load %arg11[%get3A_630, %get3A_631] {strides = array<i32>} : memref<80x64xf32, #tpu.memory_space<vmem>>, vector<1x16xf32>,
        %get3A_633 = vector.shape_cast %get3A_632 : vector<1x16xf32> to vector<16xf32>
        %mul3A_634 = arith.mulf %get3A_633, %broadcast_in_dim3A_629 : vector<16xf32>
        %swap3A_635 = arith.index_cast %add3A_626 : i32 to index
        %swap3A_636 = arith.constant 0 : index
        %swap3A_637 = tpu.vector_load %arg11[%swap3A_635, %swap3A_636] {strides = array<i32>} : memref<80x64xf32, #tpu.memory_space<vmem>>, vector<1x16xf32>,
        %swap3A_638 = vector.shape_cast %swap3A_637 : vector<1x16xf32> to vector<16xf32>
        %swap3A_639 = vector.shape_cast %mul3A_634 : vector<16xf32> to vector<1x16xf32>
        tpu.vector_store %arg11[%swap3A_635, %swap3A_636], %swap3A_639 {strides = array<i32>} : memref<80x64xf32, #tpu.memory_space<vmem>>, vector<1x16xf32>,
        %get3A_640 = arith.index_cast %add3A_626 : i32 to index
        %get3A_641 = arith.constant 16 : index
        %get3A_642 = tpu.vector_load %arg11[%get3A_640, %get3A_641] {strides = array<i32>} : memref<80x64xf32, #tpu.memory_space<vmem>>, vector<1x16xf32>,
        %get3A_643 = vector.shape_cast %get3A_642 : vector<1x16xf32> to vector<16xf32>
        %mul3A_644 = arith.mulf %get3A_643, %broadcast_in_dim3A_629 : vector<16xf32>
        %swap3A_645 = arith.index_cast %add3A_626 : i32 to index
        %swap3A_646 = arith.constant 16 : index
        %swap3A_647 = tpu.vector_load %arg11[%swap3A_645, %swap3A_646] {strides = array<i32>} : memref<80x64xf32, #tpu.memory_space<vmem>>, vector<1x16xf32>,
        %swap3A_648 = vector.shape_cast %swap3A_647 : vector<1x16xf32> to vector<16xf32>
        %swap3A_649 = vector.shape_cast %mul3A_644 : vector<16xf32> to vector<1x16xf32>
        tpu.vector_store %arg11[%swap3A_645, %swap3A_646], %swap3A_649 {strides = array<i32>} : memref<80x64xf32, #tpu.memory_space<vmem>>, vector<1x16xf32>,
        %get3A_650 = arith.index_cast %add3A_626 : i32 to index
        %get3A_651 = arith.constant 32 : index
        %get3A_652 = tpu.vector_load %arg11[%get3A_650, %get3A_651] {strides = array<i32>} : memref<80x64xf32, #tpu.memory_space<vmem>>, vector<1x16xf32>,
        %get3A_653 = vector.shape_cast %get3A_652 : vector<1x16xf32> to vector<16xf32>
        %mul3A_654 = arith.mulf %get3A_653, %broadcast_in_dim3A_629 : vector<16xf32>
        %swap3A_655 = arith.index_cast %add3A_626 : i32 to index
        %swap3A_656 = arith.constant 32 : index
        %swap3A_657 = tpu.vector_load %arg11[%swap3A_655, %swap3A_656] {strides = array<i32>} : memref<80x64xf32, #tpu.memory_space<vmem>>, vector<1x16xf32>,
        %swap3A_658 = vector.shape_cast %swap3A_657 : vector<1x16xf32> to vector<16xf32>
        %swap3A_659 = vector.shape_cast %mul3A_654 : vector<16xf32> to vector<1x16xf32>
        tpu.vector_store %arg11[%swap3A_655, %swap3A_656], %swap3A_659 {strides = array<i32>} : memref<80x64xf32, #tpu.memory_space<vmem>>, vector<1x16xf32>,
        %get3A_660 = arith.index_cast %add3A_626 : i32 to index
        %get3A_661 = arith.constant 48 : index
        %get3A_662 = tpu.vector_load %arg11[%get3A_660, %get3A_661] {strides = array<i32>} : memref<80x64xf32, #tpu.memory_space<vmem>>, vector<1x16xf32>,
        %get3A_663 = vector.shape_cast %get3A_662 : vector<1x16xf32> to vector<16xf32>
        %mul3A_664 = arith.mulf %get3A_663, %broadcast_in_dim3A_629 : vector<16xf32>
        %swap3A_665 = arith.index_cast %add3A_626 : i32 to index
        %swap3A_666 = arith.constant 48 : index
        %swap3A_667 = tpu.vector_load %arg11[%swap3A_665, %swap3A_666] {strides = array<i32>} : memref<80x64xf32, #tpu.memory_space<vmem>>, vector<1x16xf32>,
        %swap3A_668 = vector.shape_cast %swap3A_667 : vector<1x16xf32> to vector<16xf32>
        %swap3A_669 = vector.shape_cast %mul3A_664 : vector<16xf32> to vector<1x16xf32>
        tpu.vector_store %arg11[%swap3A_665, %swap3A_666], %swap3A_669 {strides = array<i32>} : memref<80x64xf32, #tpu.memory_space<vmem>>, vector<1x16xf32>,
        %mul3A_670 = arith.constant 16 : i32
        %mul3A_671 = arith.muli %scan3A_57, %mul3A_670 : i32
        %add3A_672 = arith.constant 13 : i32
        %add3A_673 = arith.addi %mul3A_671, %add3A_672 : i32
        %slice3A_674 = vector.extract_strided_slice %get3A_61 {offsets = [13], sizes = [1], strides = [1]} : vector<16xf32> to vector<1xf32>
        %squeeze3A_675 = vector.extract %slice3A_674[0] : f32 from vector<1xf32>
        %broadcast_in_dim3A_676 = vector.broadcast %squeeze3A_675 : f32 to vector<16xf32>
        %get3A_677 = arith.index_cast %add3A_673 : i32 to index
        %get3A_678 = arith.constant 0 : index
        %get3A_679 = tpu.vector_load %arg11[%get3A_677, %get3A_678] {strides = array<i32>} : memref<80x64xf32, #tpu.memory_space<vmem>>, vector<1x16xf32>,
        %get3A_680 = vector.shape_cast %get3A_679 : vector<1x16xf32> to vector<16xf32>
        %mul3A_681 = arith.mulf %get3A_680, %broadcast_in_dim3A_676 : vector<16xf32>
        %swap3A_682 = arith.index_cast %add3A_673 : i32 to index
        %swap3A_683 = arith.constant 0 : index
        %swap3A_684 = tpu.vector_load %arg11[%swap3A_682, %swap3A_683] {strides = array<i32>} : memref<80x64xf32, #tpu.memory_space<vmem>>, vector<1x16xf32>,
        %swap3A_685 = vector.shape_cast %swap3A_684 : vector<1x16xf32> to vector<16xf32>
        %swap3A_686 = vector.shape_cast %mul3A_681 : vector<16xf32> to vector<1x16xf32>
        tpu.vector_store %arg11[%swap3A_682, %swap3A_683], %swap3A_686 {strides = array<i32>} : memref<80x64xf32, #tpu.memory_space<vmem>>, vector<1x16xf32>,
        %get3A_687 = arith.index_cast %add3A_673 : i32 to index
        %get3A_688 = arith.constant 16 : index
        %get3A_689 = tpu.vector_load %arg11[%get3A_687, %get3A_688] {strides = array<i32>} : memref<80x64xf32, #tpu.memory_space<vmem>>, vector<1x16xf32>,
        %get3A_690 = vector.shape_cast %get3A_689 : vector<1x16xf32> to vector<16xf32>
        %mul3A_691 = arith.mulf %get3A_690, %broadcast_in_dim3A_676 : vector<16xf32>
        %swap3A_692 = arith.index_cast %add3A_673 : i32 to index
        %swap3A_693 = arith.constant 16 : index
        %swap3A_694 = tpu.vector_load %arg11[%swap3A_692, %swap3A_693] {strides = array<i32>} : memref<80x64xf32, #tpu.memory_space<vmem>>, vector<1x16xf32>,
        %swap3A_695 = vector.shape_cast %swap3A_694 : vector<1x16xf32> to vector<16xf32>
        %swap3A_696 = vector.shape_cast %mul3A_691 : vector<16xf32> to vector<1x16xf32>
        tpu.vector_store %arg11[%swap3A_692, %swap3A_693], %swap3A_696 {strides = array<i32>} : memref<80x64xf32, #tpu.memory_space<vmem>>, vector<1x16xf32>,
        %get3A_697 = arith.index_cast %add3A_673 : i32 to index
        %get3A_698 = arith.constant 32 : index
        %get3A_699 = tpu.vector_load %arg11[%get3A_697, %get3A_698] {strides = array<i32>} : memref<80x64xf32, #tpu.memory_space<vmem>>, vector<1x16xf32>,
        %get3A_700 = vector.shape_cast %get3A_699 : vector<1x16xf32> to vector<16xf32>
        %mul3A_701 = arith.mulf %get3A_700, %broadcast_in_dim3A_676 : vector<16xf32>
        %swap3A_702 = arith.index_cast %add3A_673 : i32 to index
        %swap3A_703 = arith.constant 32 : index
        %swap3A_704 = tpu.vector_load %arg11[%swap3A_702, %swap3A_703] {strides = array<i32>} : memref<80x64xf32, #tpu.memory_space<vmem>>, vector<1x16xf32>,
        %swap3A_705 = vector.shape_cast %swap3A_704 : vector<1x16xf32> to vector<16xf32>
        %swap3A_706 = vector.shape_cast %mul3A_701 : vector<16xf32> to vector<1x16xf32>
        tpu.vector_store %arg11[%swap3A_702, %swap3A_703], %swap3A_706 {strides = array<i32>} : memref<80x64xf32, #tpu.memory_space<vmem>>, vector<1x16xf32>,
        %get3A_707 = arith.index_cast %add3A_673 : i32 to index
        %get3A_708 = arith.constant 48 : index
        %get3A_709 = tpu.vector_load %arg11[%get3A_707, %get3A_708] {strides = array<i32>} : memref<80x64xf32, #tpu.memory_space<vmem>>, vector<1x16xf32>,
        %get3A_710 = vector.shape_cast %get3A_709 : vector<1x16xf32> to vector<16xf32>
        %mul3A_711 = arith.mulf %get3A_710, %broadcast_in_dim3A_676 : vector<16xf32>
        %swap3A_712 = arith.index_cast %add3A_673 : i32 to index
        %swap3A_713 = arith.constant 48 : index
        %swap3A_714 = tpu.vector_load %arg11[%swap3A_712, %swap3A_713] {strides = array<i32>} : memref<80x64xf32, #tpu.memory_space<vmem>>, vector<1x16xf32>,
        %swap3A_715 = vector.shape_cast %swap3A_714 : vector<1x16xf32> to vector<16xf32>
        %swap3A_716 = vector.shape_cast %mul3A_711 : vector<16xf32> to vector<1x16xf32>
        tpu.vector_store %arg11[%swap3A_712, %swap3A_713], %swap3A_716 {strides = array<i32>} : memref<80x64xf32, #tpu.memory_space<vmem>>, vector<1x16xf32>,
        %mul3A_717 = arith.constant 16 : i32
        %mul3A_718 = arith.muli %scan3A_57, %mul3A_717 : i32
        %add3A_719 = arith.constant 14 : i32
        %add3A_720 = arith.addi %mul3A_718, %add3A_719 : i32
        %slice3A_721 = vector.extract_strided_slice %get3A_61 {offsets = [14], sizes = [1], strides = [1]} : vector<16xf32> to vector<1xf32>
        %squeeze3A_722 = vector.extract %slice3A_721[0] : f32 from vector<1xf32>
        %broadcast_in_dim3A_723 = vector.broadcast %squeeze3A_722 : f32 to vector<16xf32>
        %get3A_724 = arith.index_cast %add3A_720 : i32 to index
        %get3A_725 = arith.constant 0 : index
        %get3A_726 = tpu.vector_load %arg11[%get3A_724, %get3A_725] {strides = array<i32>} : memref<80x64xf32, #tpu.memory_space<vmem>>, vector<1x16xf32>,
        %get3A_727 = vector.shape_cast %get3A_726 : vector<1x16xf32> to vector<16xf32>
        %mul3A_728 = arith.mulf %get3A_727, %broadcast_in_dim3A_723 : vector<16xf32>
        %swap3A_729 = arith.index_cast %add3A_720 : i32 to index
        %swap3A_730 = arith.constant 0 : index
        %swap3A_731 = tpu.vector_load %arg11[%swap3A_729, %swap3A_730] {strides = array<i32>} : memref<80x64xf32, #tpu.memory_space<vmem>>, vector<1x16xf32>,
        %swap3A_732 = vector.shape_cast %swap3A_731 : vector<1x16xf32> to vector<16xf32>
        %swap3A_733 = vector.shape_cast %mul3A_728 : vector<16xf32> to vector<1x16xf32>
        tpu.vector_store %arg11[%swap3A_729, %swap3A_730], %swap3A_733 {strides = array<i32>} : memref<80x64xf32, #tpu.memory_space<vmem>>, vector<1x16xf32>,
        %get3A_734 = arith.index_cast %add3A_720 : i32 to index
        %get3A_735 = arith.constant 16 : index
        %get3A_736 = tpu.vector_load %arg11[%get3A_734, %get3A_735] {strides = array<i32>} : memref<80x64xf32, #tpu.memory_space<vmem>>, vector<1x16xf32>,
        %get3A_737 = vector.shape_cast %get3A_736 : vector<1x16xf32> to vector<16xf32>
        %mul3A_738 = arith.mulf %get3A_737, %broadcast_in_dim3A_723 : vector<16xf32>
        %swap3A_739 = arith.index_cast %add3A_720 : i32 to index
        %swap3A_740 = arith.constant 16 : index
        %swap3A_741 = tpu.vector_load %arg11[%swap3A_739, %swap3A_740] {strides = array<i32>} : memref<80x64xf32, #tpu.memory_space<vmem>>, vector<1x16xf32>,
        %swap3A_742 = vector.shape_cast %swap3A_741 : vector<1x16xf32> to vector<16xf32>
        %swap3A_743 = vector.shape_cast %mul3A_738 : vector<16xf32> to vector<1x16xf32>
        tpu.vector_store %arg11[%swap3A_739, %swap3A_740], %swap3A_743 {strides = array<i32>} : memref<80x64xf32, #tpu.memory_space<vmem>>, vector<1x16xf32>,
        %get3A_744 = arith.index_cast %add3A_720 : i32 to index
        %get3A_745 = arith.constant 32 : index
        %get3A_746 = tpu.vector_load %arg11[%get3A_744, %get3A_745] {strides = array<i32>} : memref<80x64xf32, #tpu.memory_space<vmem>>, vector<1x16xf32>,
        %get3A_747 = vector.shape_cast %get3A_746 : vector<1x16xf32> to vector<16xf32>
        %mul3A_748 = arith.mulf %get3A_747, %broadcast_in_dim3A_723 : vector<16xf32>
        %swap3A_749 = arith.index_cast %add3A_720 : i32 to index
        %swap3A_750 = arith.constant 32 : index
        %swap3A_751 = tpu.vector_load %arg11[%swap3A_749, %swap3A_750] {strides = array<i32>} : memref<80x64xf32, #tpu.memory_space<vmem>>, vector<1x16xf32>,
        %swap3A_752 = vector.shape_cast %swap3A_751 : vector<1x16xf32> to vector<16xf32>
        %swap3A_753 = vector.shape_cast %mul3A_748 : vector<16xf32> to vector<1x16xf32>
        tpu.vector_store %arg11[%swap3A_749, %swap3A_750], %swap3A_753 {strides = array<i32>} : memref<80x64xf32, #tpu.memory_space<vmem>>, vector<1x16xf32>,
        %get3A_754 = arith.index_cast %add3A_720 : i32 to index
        %get3A_755 = arith.constant 48 : index
        %get3A_756 = tpu.vector_load %arg11[%get3A_754, %get3A_755] {strides = array<i32>} : memref<80x64xf32, #tpu.memory_space<vmem>>, vector<1x16xf32>,
        %get3A_757 = vector.shape_cast %get3A_756 : vector<1x16xf32> to vector<16xf32>
        %mul3A_758 = arith.mulf %get3A_757, %broadcast_in_dim3A_723 : vector<16xf32>
        %swap3A_759 = arith.index_cast %add3A_720 : i32 to index
        %swap3A_760 = arith.constant 48 : index
        %swap3A_761 = tpu.vector_load %arg11[%swap3A_759, %swap3A_760] {strides = array<i32>} : memref<80x64xf32, #tpu.memory_space<vmem>>, vector<1x16xf32>,
        %swap3A_762 = vector.shape_cast %swap3A_761 : vector<1x16xf32> to vector<16xf32>
        %swap3A_763 = vector.shape_cast %mul3A_758 : vector<16xf32> to vector<1x16xf32>
        tpu.vector_store %arg11[%swap3A_759, %swap3A_760], %swap3A_763 {strides = array<i32>} : memref<80x64xf32, #tpu.memory_space<vmem>>, vector<1x16xf32>,
        %mul3A_764 = arith.constant 16 : i32
        %mul3A_765 = arith.muli %scan3A_57, %mul3A_764 : i32
        %add3A_766 = arith.constant 15 : i32
        %add3A_767 = arith.addi %mul3A_765, %add3A_766 : i32
        %slice3A_768 = vector.extract_strided_slice %get3A_61 {offsets = [15], sizes = [1], strides = [1]} : vector<16xf32> to vector<1xf32>
        %squeeze3A_769 = vector.extract %slice3A_768[0] : f32 from vector<1xf32>
        %broadcast_in_dim3A_770 = vector.broadcast %squeeze3A_769 : f32 to vector<16xf32>
        %get3A_771 = arith.index_cast %add3A_767 : i32 to index
        %get3A_772 = arith.constant 0 : index
        %get3A_773 = tpu.vector_load %arg11[%get3A_771, %get3A_772] {strides = array<i32>} : memref<80x64xf32, #tpu.memory_space<vmem>>, vector<1x16xf32>,
        %get3A_774 = vector.shape_cast %get3A_773 : vector<1x16xf32> to vector<16xf32>
        %mul3A_775 = arith.mulf %get3A_774, %broadcast_in_dim3A_770 : vector<16xf32>
        %swap3A_776 = arith.index_cast %add3A_767 : i32 to index
        %swap3A_777 = arith.constant 0 : index
        %swap3A_778 = tpu.vector_load %arg11[%swap3A_776, %swap3A_777] {strides = array<i32>} : memref<80x64xf32, #tpu.memory_space<vmem>>, vector<1x16xf32>,
        %swap3A_779 = vector.shape_cast %swap3A_778 : vector<1x16xf32> to vector<16xf32>
        %swap3A_780 = vector.shape_cast %mul3A_775 : vector<16xf32> to vector<1x16xf32>
        tpu.vector_store %arg11[%swap3A_776, %swap3A_777], %swap3A_780 {strides = array<i32>} : memref<80x64xf32, #tpu.memory_space<vmem>>, vector<1x16xf32>,
        %get3A_781 = arith.index_cast %add3A_767 : i32 to index
        %get3A_782 = arith.constant 16 : index
        %get3A_783 = tpu.vector_load %arg11[%get3A_781, %get3A_782] {strides = array<i32>} : memref<80x64xf32, #tpu.memory_space<vmem>>, vector<1x16xf32>,
        %get3A_784 = vector.shape_cast %get3A_783 : vector<1x16xf32> to vector<16xf32>
        %mul3A_785 = arith.mulf %get3A_784, %broadcast_in_dim3A_770 : vector<16xf32>
        %swap3A_786 = arith.index_cast %add3A_767 : i32 to index
        %swap3A_787 = arith.constant 16 : index
        %swap3A_788 = tpu.vector_load %arg11[%swap3A_786, %swap3A_787] {strides = array<i32>} : memref<80x64xf32, #tpu.memory_space<vmem>>, vector<1x16xf32>,
        %swap3A_789 = vector.shape_cast %swap3A_788 : vector<1x16xf32> to vector<16xf32>
        %swap3A_790 = vector.shape_cast %mul3A_785 : vector<16xf32> to vector<1x16xf32>
        tpu.vector_store %arg11[%swap3A_786, %swap3A_787], %swap3A_790 {strides = array<i32>} : memref<80x64xf32, #tpu.memory_space<vmem>>, vector<1x16xf32>,
        %get3A_791 = arith.index_cast %add3A_767 : i32 to index
        %get3A_792 = arith.constant 32 : index
        %get3A_793 = tpu.vector_load %arg11[%get3A_791, %get3A_792] {strides = array<i32>} : memref<80x64xf32, #tpu.memory_space<vmem>>, vector<1x16xf32>,
        %get3A_794 = vector.shape_cast %get3A_793 : vector<1x16xf32> to vector<16xf32>
        %mul3A_795 = arith.mulf %get3A_794, %broadcast_in_dim3A_770 : vector<16xf32>
        %swap3A_796 = arith.index_cast %add3A_767 : i32 to index
        %swap3A_797 = arith.constant 32 : index
        %swap3A_798 = tpu.vector_load %arg11[%swap3A_796, %swap3A_797] {strides = array<i32>} : memref<80x64xf32, #tpu.memory_space<vmem>>, vector<1x16xf32>,
        %swap3A_799 = vector.shape_cast %swap3A_798 : vector<1x16xf32> to vector<16xf32>
        %swap3A_800 = vector.shape_cast %mul3A_795 : vector<16xf32> to vector<1x16xf32>
        tpu.vector_store %arg11[%swap3A_796, %swap3A_797], %swap3A_800 {strides = array<i32>} : memref<80x64xf32, #tpu.memory_space<vmem>>, vector<1x16xf32>,
        %get3A_801 = arith.index_cast %add3A_767 : i32 to index
        %get3A_802 = arith.constant 48 : index
        %get3A_803 = tpu.vector_load %arg11[%get3A_801, %get3A_802] {strides = array<i32>} : memref<80x64xf32, #tpu.memory_space<vmem>>, vector<1x16xf32>,
        %get3A_804 = vector.shape_cast %get3A_803 : vector<1x16xf32> to vector<16xf32>
        %mul3A_805 = arith.mulf %get3A_804, %broadcast_in_dim3A_770 : vector<16xf32>
        %swap3A_806 = arith.index_cast %add3A_767 : i32 to index
        %swap3A_807 = arith.constant 48 : index
        %swap3A_808 = tpu.vector_load %arg11[%swap3A_806, %swap3A_807] {strides = array<i32>} : memref<80x64xf32, #tpu.memory_space<vmem>>, vector<1x16xf32>,
        %swap3A_809 = vector.shape_cast %swap3A_808 : vector<1x16xf32> to vector<16xf32>
        %swap3A_810 = vector.shape_cast %mul3A_805 : vector<16xf32> to vector<1x16xf32>
        tpu.vector_store %arg11[%swap3A_806, %swap3A_807], %swap3A_810 {strides = array<i32>} : memref<80x64xf32, #tpu.memory_space<vmem>>, vector<1x16xf32>,
      }
      %scan3A_56 = arith.constant 5 : i32
      "tpu.region"() ({
        %run_scoped3A = tpu.sem_alloc : memref<!tpu.dma_semaphore, #tpu.memory_space<semaphore_mem>>
        %dma_start3A = arith.constant 0 : i32
        %dma_start3A_57 = arith.constant 0 : i32
        %dma_start3A_58 = tpu.memref_slice %arg13[%dma_start3A, %dma_start3A_57] : memref<10000x64xf32, #tpu.memory_space<vmem_shared>> -> memref<10000x64xf32, #tpu.memory_space<vmem_shared>>
        tpu.enqueue_indirect_dma source(%arg11 : memref<80x64xf32, #tpu.memory_space<vmem>>) target(%dma_start3A_58 : memref<10000x64xf32, #tpu.memory_space<vmem_shared>>) offsets(%arg9 : memref<80xi32, #tpu.memory_space<vmem>>) semaphore(%run_scoped3A : memref<!tpu.dma_semaphore, #tpu.memory_space<semaphore_mem>>) {add = true}
        %dma_wait3A = arith.constant 0 : i32
        %dma_wait3A_59 = arith.constant 0 : i32
        %dma_wait3A_60 = tpu.memref_slice %arg13[%dma_wait3A, %dma_wait3A_59] : memref<10000x64xf32, #tpu.memory_space<vmem_shared>> -> memref<10000x64xf32, #tpu.memory_space<vmem_shared>>
        tpu.wait_indirect_dma semaphore(%run_scoped3A : memref<!tpu.dma_semaphore, #tpu.memory_space<semaphore_mem>>) src(%arg11 : memref<80x64xf32, #tpu.memory_space<vmem>>) dst(%dma_wait3A_60 : memref<10000x64xf32, #tpu.memory_space<vmem_shared>>)
        tpu.yield
      }) : () -> ()
    }
    %scan3A_21 = arith.constant 250 : i32
    %barrier3A_22 = arith.constant 0 : index
    tpu.barrier barrier_id(%barrier3A_22)
    %add3A_23 = arith.constant 0 : i32
    %add3A_24 = arith.addi %arg1, %add3A_23 : i32
    %lt3A_25 = arith.constant 25 : i32
    %lt3A_26 = arith.cmpi slt, %add3A_24, %lt3A_25 : i32
    %convert_element_type3A_27 = arith.extui %lt3A_26 : i1 to i32
    %cond3A_28 = arith.constant 0 : i32
    %cond3A_29 = arith.cmpi ne, %convert_element_type3A_27, %cond3A_28 : i32
    scf.if %cond3A_29 {
      %mul3A = arith.constant 400 : i32
      %mul3A_37 = arith.muli %add3A_24, %mul3A : i32
      %mul3A_38 = arith.constant 10000 : i32
      %mul3A_39 = arith.muli %arg0, %mul3A_38 : i32
      %mul3A_40 = arith.constant 400 : i32
      %mul3A_41 = arith.muli %add3A_24, %mul3A_40 : i32
      %add3A_42 = arith.addi %mul3A_39, %mul3A_41 : i32
      "tpu.region"() ({
        %run_scoped3A = tpu.sem_alloc : memref<!tpu.dma_semaphore, #tpu.memory_space<semaphore_mem>>
        %dma_start3A = arith.constant 0 : i32
        %dma_start3A_43 = tpu.memref_slice %arg7[%add3A_42, %dma_start3A] : memref<20000x64xf32, #tpu.memory_space<hbm>> -> memref<400x64xf32, #tpu.memory_space<hbm>>
        %dma_start3A_44 = arith.constant 0 : i32
        %dma_start3A_45 = tpu.memref_slice %arg13[%mul3A_37, %dma_start3A_44] : memref<10000x64xf32, #tpu.memory_space<vmem_shared>> -> memref<400x64xf32, #tpu.memory_space<vmem_shared>>
        tpu.enqueue_dma source(%dma_start3A_45 : memref<400x64xf32, #tpu.memory_space<vmem_shared>>) target(%dma_start3A_43 : memref<400x64xf32, #tpu.memory_space<hbm>>) target_semaphore(%run_scoped3A : memref<!tpu.dma_semaphore, #tpu.memory_space<semaphore_mem>>)
        %dma_wait3A = arith.constant 0 : i32
        %dma_wait3A_46 = tpu.memref_slice %arg7[%add3A_42, %dma_wait3A] : memref<20000x64xf32, #tpu.memory_space<hbm>> -> memref<400x64xf32, #tpu.memory_space<hbm>>
        %dma_wait3A_47 = arith.constant 0 : i32
        %dma_wait3A_48 = tpu.memref_slice %arg13[%mul3A_37, %dma_wait3A_47] : memref<10000x64xf32, #tpu.memory_space<vmem_shared>> -> memref<400x64xf32, #tpu.memory_space<vmem_shared>>
        tpu.wait_dma2 semaphore(%run_scoped3A : memref<!tpu.dma_semaphore, #tpu.memory_space<semaphore_mem>>) src(%dma_wait3A_48 : memref<400x64xf32, #tpu.memory_space<vmem_shared>>) dst(%dma_wait3A_46 : memref<400x64xf32, #tpu.memory_space<hbm>>)
        tpu.yield
      }) : () -> ()
    } else {
    }
    %add3A_30 = arith.constant 16 : i32
    %add3A_31 = arith.addi %arg1, %add3A_30 : i32
    %lt3A_32 = arith.constant 25 : i32
    %lt3A_33 = arith.cmpi slt, %add3A_31, %lt3A_32 : i32
    %convert_element_type3A_34 = arith.extui %lt3A_33 : i1 to i32
    %cond3A_35 = arith.constant 0 : i32
    %cond3A_36 = arith.cmpi ne, %convert_element_type3A_34, %cond3A_35 : i32
    scf.if %cond3A_36 {
      %mul3A = arith.constant 400 : i32
      %mul3A_37 = arith.muli %add3A_31, %mul3A : i32
      %mul3A_38 = arith.constant 10000 : i32
      %mul3A_39 = arith.muli %arg0, %mul3A_38 : i32
      %mul3A_40 = arith.constant 400 : i32
      %mul3A_41 = arith.muli %add3A_31, %mul3A_40 : i32
      %add3A_42 = arith.addi %mul3A_39, %mul3A_41 : i32
      "tpu.region"() ({
        %run_scoped3A = tpu.sem_alloc : memref<!tpu.dma_semaphore, #tpu.memory_space<semaphore_mem>>
        %dma_start3A = arith.constant 0 : i32
        %dma_start3A_43 = tpu.memref_slice %arg7[%add3A_42, %dma_start3A] : memref<20000x64xf32, #tpu.memory_space<hbm>> -> memref<400x64xf32, #tpu.memory_space<hbm>>
        %dma_start3A_44 = arith.constant 0 : i32
        %dma_start3A_45 = tpu.memref_slice %arg13[%mul3A_37, %dma_start3A_44] : memref<10000x64xf32, #tpu.memory_space<vmem_shared>> -> memref<400x64xf32, #tpu.memory_space<vmem_shared>>
        tpu.enqueue_dma source(%dma_start3A_45 : memref<400x64xf32, #tpu.memory_space<vmem_shared>>) target(%dma_start3A_43 : memref<400x64xf32, #tpu.memory_space<hbm>>) target_semaphore(%run_scoped3A : memref<!tpu.dma_semaphore, #tpu.memory_space<semaphore_mem>>)
        %dma_wait3A = arith.constant 0 : i32
        %dma_wait3A_46 = tpu.memref_slice %arg7[%add3A_42, %dma_wait3A] : memref<20000x64xf32, #tpu.memory_space<hbm>> -> memref<400x64xf32, #tpu.memory_space<hbm>>
        %dma_wait3A_47 = arith.constant 0 : i32
        %dma_wait3A_48 = tpu.memref_slice %arg13[%mul3A_37, %dma_wait3A_47] : memref<10000x64xf32, #tpu.memory_space<vmem_shared>> -> memref<400x64xf32, #tpu.memory_space<vmem_shared>>
        tpu.wait_dma2 semaphore(%run_scoped3A : memref<!tpu.dma_semaphore, #tpu.memory_space<semaphore_mem>>) src(%dma_wait3A_48 : memref<400x64xf32, #tpu.memory_space<vmem_shared>>) dst(%dma_wait3A_46 : memref<400x64xf32, #tpu.memory_space<hbm>>)
        tpu.yield
      }) : () -> ()
    } else {
    }
    return
  }
}

#map = affine_map<(d0, d1) -> (0, 0)>
#map1 = affine_map<(d0, d1) -> (0)>
module attributes {stable_mosaic.version = 14 : i64} {
  func.func @k(%arg0: i32, %arg1: i32, %arg2: memref<10000x16xf32, #tpu.memory_space<hbm>>, %arg3: memref<320000xi32, #tpu.memory_space<hbm>>, %arg4: memref<320000xi32, #tpu.memory_space<hbm>>, %arg5: memref<320000xf32, #tpu.memory_space<hbm>>, %arg6: memref<20000x16xf32, #tpu.memory_space<hbm>>, %arg7: memref<80xi32, #tpu.memory_space<vmem>>, %arg8: memref<80xi32, #tpu.memory_space<vmem>>, %arg9: memref<80xf32, #tpu.memory_space<vmem>>, %arg10: memref<80x16xf32, #tpu.memory_space<vmem>>, %arg11: memref<400x16xf32, #tpu.memory_space<vmem>>, %arg12: memref<10000x16xf32, #tpu.memory_space<vmem_shared>>, %arg13: memref<!tpu.dma_semaphore, #tpu.memory_space<semaphore_mem>>) attributes {dimension_semantics = [#tpu.dimension_semantics<core_parallel>, #tpu.dimension_semantics<subcore_parallel>], iteration_bounds = array<i64: 2, 16>, scalar_prefetch = 0 : i64, scratch_operands = 7 : i64, tpu.core_type = #tpu.core_type<sc_vector_subcore>, window_params = [{transform_indices = #map}, {transform_indices = #map1}, {transform_indices = #map1}, {transform_indices = #map1}, {transform_indices = #map}]} {
    %broadcast_in_dim3A = arith.constant 0.000000e+00 : f32
    %broadcast_in_dim3A_0 = vector.broadcast %broadcast_in_dim3A : f32 to vector<16xf32>
    %scan3A = arith.constant 0 : i32
    %scan3A_1 = arith.constant 0 : i32
    %scan3A_2 = arith.constant 400 : i32
    %scan3A_3 = arith.addi %scan3A_1, %scan3A_2 : i32
    %scan3A_4 = arith.constant 1 : i32
    scf.for %scan3A_37 = %scan3A_1 to %scan3A_3 step %scan3A_4  : i32 {
      %swap3A = arith.index_cast %scan3A_37 : i32 to index
      %swap3A_38 = arith.constant 0 : index
      %swap3A_39 = tpu.vector_load %arg11[%swap3A, %swap3A_38] {strides = array<i32>} : memref<400x16xf32, #tpu.memory_space<vmem>>, vector<1x16xf32>,
      %swap3A_40 = vector.shape_cast %swap3A_39 : vector<1x16xf32> to vector<16xf32>
      %swap3A_41 = vector.shape_cast %broadcast_in_dim3A_0 : vector<16xf32> to vector<1x16xf32>
      tpu.vector_store %arg11[%swap3A, %swap3A_38], %swap3A_41 {strides = array<i32>} : memref<400x16xf32, #tpu.memory_space<vmem>>, vector<1x16xf32>,
    }
    %scan3A_5 = arith.constant 400 : i32
    %add3A = arith.constant 0 : i32
    %add3A_6 = arith.addi %arg1, %add3A : i32
    %lt3A = arith.constant 25 : i32
    %lt3A_7 = arith.cmpi slt, %add3A_6, %lt3A : i32
    %convert_element_type3A = arith.extui %lt3A_7 : i1 to i32
    %cond3A = arith.constant 0 : i32
    %cond3A_8 = arith.cmpi ne, %convert_element_type3A, %cond3A : i32
    scf.if %cond3A_8 {
      %mul3A = arith.constant 400 : i32
      %mul3A_37 = arith.muli %add3A_6, %mul3A : i32
      "tpu.region"() ({
        %run_scoped3A = tpu.sem_alloc : memref<!tpu.dma_semaphore, #tpu.memory_space<semaphore_mem>>
        %dma_start3A = arith.constant 0 : i32
        %dma_start3A_38 = tpu.memref_slice %arg12[%mul3A_37, %dma_start3A] : memref<10000x16xf32, #tpu.memory_space<vmem_shared>> -> memref<400x16xf32, #tpu.memory_space<vmem_shared>>
        %dma_start3A_39 = arith.constant 0 : i32
        %dma_start3A_40 = tpu.memref_slice %arg12[%mul3A_37, %dma_start3A_39] : memref<10000x16xf32, #tpu.memory_space<vmem_shared>> -> memref<400x16xf32, #tpu.memory_space<vmem_shared>>
        tpu.enqueue_dma source(%arg11 : memref<400x16xf32, #tpu.memory_space<vmem>>) target(%dma_start3A_40 : memref<400x16xf32, #tpu.memory_space<vmem_shared>>) target_semaphore(%run_scoped3A : memref<!tpu.dma_semaphore, #tpu.memory_space<semaphore_mem>>)
        %dma_wait3A = arith.constant 0 : i32
        %dma_wait3A_41 = tpu.memref_slice %arg12[%mul3A_37, %dma_wait3A] : memref<10000x16xf32, #tpu.memory_space<vmem_shared>> -> memref<400x16xf32, #tpu.memory_space<vmem_shared>>
        %dma_wait3A_42 = arith.constant 0 : i32
        %dma_wait3A_43 = tpu.memref_slice %arg12[%mul3A_37, %dma_wait3A_42] : memref<10000x16xf32, #tpu.memory_space<vmem_shared>> -> memref<400x16xf32, #tpu.memory_space<vmem_shared>>
        tpu.wait_dma2 semaphore(%run_scoped3A : memref<!tpu.dma_semaphore, #tpu.memory_space<semaphore_mem>>) src(%arg11 : memref<400x16xf32, #tpu.memory_space<vmem>>) dst(%dma_wait3A_43 : memref<400x16xf32, #tpu.memory_space<vmem_shared>>)
        tpu.yield
      }) : () -> ()
    } else {
    }
    %add3A_9 = arith.constant 16 : i32
    %add3A_10 = arith.addi %arg1, %add3A_9 : i32
    %lt3A_11 = arith.constant 25 : i32
    %lt3A_12 = arith.cmpi slt, %add3A_10, %lt3A_11 : i32
    %convert_element_type3A_13 = arith.extui %lt3A_12 : i1 to i32
    %cond3A_14 = arith.constant 0 : i32
    %cond3A_15 = arith.cmpi ne, %convert_element_type3A_13, %cond3A_14 : i32
    scf.if %cond3A_15 {
      %mul3A = arith.constant 400 : i32
      %mul3A_37 = arith.muli %add3A_10, %mul3A : i32
      "tpu.region"() ({
        %run_scoped3A = tpu.sem_alloc : memref<!tpu.dma_semaphore, #tpu.memory_space<semaphore_mem>>
        %dma_start3A = arith.constant 0 : i32
        %dma_start3A_38 = tpu.memref_slice %arg12[%mul3A_37, %dma_start3A] : memref<10000x16xf32, #tpu.memory_space<vmem_shared>> -> memref<400x16xf32, #tpu.memory_space<vmem_shared>>
        %dma_start3A_39 = arith.constant 0 : i32
        %dma_start3A_40 = tpu.memref_slice %arg12[%mul3A_37, %dma_start3A_39] : memref<10000x16xf32, #tpu.memory_space<vmem_shared>> -> memref<400x16xf32, #tpu.memory_space<vmem_shared>>
        tpu.enqueue_dma source(%arg11 : memref<400x16xf32, #tpu.memory_space<vmem>>) target(%dma_start3A_40 : memref<400x16xf32, #tpu.memory_space<vmem_shared>>) target_semaphore(%run_scoped3A : memref<!tpu.dma_semaphore, #tpu.memory_space<semaphore_mem>>)
        %dma_wait3A = arith.constant 0 : i32
        %dma_wait3A_41 = tpu.memref_slice %arg12[%mul3A_37, %dma_wait3A] : memref<10000x16xf32, #tpu.memory_space<vmem_shared>> -> memref<400x16xf32, #tpu.memory_space<vmem_shared>>
        %dma_wait3A_42 = arith.constant 0 : i32
        %dma_wait3A_43 = tpu.memref_slice %arg12[%mul3A_37, %dma_wait3A_42] : memref<10000x16xf32, #tpu.memory_space<vmem_shared>> -> memref<400x16xf32, #tpu.memory_space<vmem_shared>>
        tpu.wait_dma2 semaphore(%run_scoped3A : memref<!tpu.dma_semaphore, #tpu.memory_space<semaphore_mem>>) src(%arg11 : memref<400x16xf32, #tpu.memory_space<vmem>>) dst(%dma_wait3A_43 : memref<400x16xf32, #tpu.memory_space<vmem_shared>>)
        tpu.yield
      }) : () -> ()
    } else {
    }
    %barrier3A = arith.constant 0 : index
    tpu.barrier barrier_id(%barrier3A)
    %scan3A_16 = arith.constant 0 : i32
    %scan3A_17 = arith.constant 0 : i32
    %scan3A_18 = arith.constant 125 : i32
    %scan3A_19 = arith.addi %scan3A_17, %scan3A_18 : i32
    %scan3A_20 = arith.constant 1 : i32
    scf.for %scan3A_37 = %scan3A_17 to %scan3A_19 step %scan3A_20  : i32 {
      %mul3A = arith.constant 16 : i32
      %mul3A_38 = arith.muli %arg0, %mul3A : i32
      %add3A_39 = arith.addi %mul3A_38, %arg1 : i32
      %mul3A_40 = arith.constant 10000 : i32
      %mul3A_41 = arith.muli %add3A_39, %mul3A_40 : i32
      %mul3A_42 = arith.constant 80 : i32
      %mul3A_43 = arith.muli %scan3A_37, %mul3A_42 : i32
      %add3A_44 = arith.addi %mul3A_41, %mul3A_43 : i32
      "tpu.region"() ({
        %run_scoped3A = tpu.sem_alloc : memref<!tpu.dma_semaphore, #tpu.memory_space<semaphore_mem>>
        %dma_start3A_55 = tpu.memref_slice %arg3[%add3A_44] : memref<320000xi32, #tpu.memory_space<hbm>> -> memref<80xi32, #tpu.memory_space<hbm>>
        %dma_start3A_56 = tpu.memref_slice %arg3[%add3A_44] : memref<320000xi32, #tpu.memory_space<hbm>> -> memref<80xi32, #tpu.memory_space<hbm>>
        tpu.enqueue_dma source(%dma_start3A_56 : memref<80xi32, #tpu.memory_space<hbm>>) target(%arg7 : memref<80xi32, #tpu.memory_space<vmem>>) target_semaphore(%run_scoped3A : memref<!tpu.dma_semaphore, #tpu.memory_space<semaphore_mem>>)
        %dma_wait3A_57 = tpu.memref_slice %arg3[%add3A_44] : memref<320000xi32, #tpu.memory_space<hbm>> -> memref<80xi32, #tpu.memory_space<hbm>>
        %dma_wait3A_58 = tpu.memref_slice %arg3[%add3A_44] : memref<320000xi32, #tpu.memory_space<hbm>> -> memref<80xi32, #tpu.memory_space<hbm>>
        tpu.wait_dma2 semaphore(%run_scoped3A : memref<!tpu.dma_semaphore, #tpu.memory_space<semaphore_mem>>) src(%dma_wait3A_58 : memref<80xi32, #tpu.memory_space<hbm>>) dst(%arg7 : memref<80xi32, #tpu.memory_space<vmem>>)
        tpu.yield
      }) : () -> ()
      "tpu.region"() ({
        %run_scoped3A = tpu.sem_alloc : memref<!tpu.dma_semaphore, #tpu.memory_space<semaphore_mem>>
        %dma_start3A_55 = tpu.memref_slice %arg4[%add3A_44] : memref<320000xi32, #tpu.memory_space<hbm>> -> memref<80xi32, #tpu.memory_space<hbm>>
        %dma_start3A_56 = tpu.memref_slice %arg4[%add3A_44] : memref<320000xi32, #tpu.memory_space<hbm>> -> memref<80xi32, #tpu.memory_space<hbm>>
        tpu.enqueue_dma source(%dma_start3A_56 : memref<80xi32, #tpu.memory_space<hbm>>) target(%arg8 : memref<80xi32, #tpu.memory_space<vmem>>) target_semaphore(%run_scoped3A : memref<!tpu.dma_semaphore, #tpu.memory_space<semaphore_mem>>)
        %dma_wait3A_57 = tpu.memref_slice %arg4[%add3A_44] : memref<320000xi32, #tpu.memory_space<hbm>> -> memref<80xi32, #tpu.memory_space<hbm>>
        %dma_wait3A_58 = tpu.memref_slice %arg4[%add3A_44] : memref<320000xi32, #tpu.memory_space<hbm>> -> memref<80xi32, #tpu.memory_space<hbm>>
        tpu.wait_dma2 semaphore(%run_scoped3A : memref<!tpu.dma_semaphore, #tpu.memory_space<semaphore_mem>>) src(%dma_wait3A_58 : memref<80xi32, #tpu.memory_space<hbm>>) dst(%arg8 : memref<80xi32, #tpu.memory_space<vmem>>)
        tpu.yield
      }) : () -> ()
      "tpu.region"() ({
        %run_scoped3A = tpu.sem_alloc : memref<!tpu.dma_semaphore, #tpu.memory_space<semaphore_mem>>
        %dma_start3A_55 = tpu.memref_slice %arg5[%add3A_44] : memref<320000xf32, #tpu.memory_space<hbm>> -> memref<80xf32, #tpu.memory_space<hbm>>
        %dma_start3A_56 = tpu.memref_slice %arg5[%add3A_44] : memref<320000xf32, #tpu.memory_space<hbm>> -> memref<80xf32, #tpu.memory_space<hbm>>
        tpu.enqueue_dma source(%dma_start3A_56 : memref<80xf32, #tpu.memory_space<hbm>>) target(%arg9 : memref<80xf32, #tpu.memory_space<vmem>>) target_semaphore(%run_scoped3A : memref<!tpu.dma_semaphore, #tpu.memory_space<semaphore_mem>>)
        %dma_wait3A_57 = tpu.memref_slice %arg5[%add3A_44] : memref<320000xf32, #tpu.memory_space<hbm>> -> memref<80xf32, #tpu.memory_space<hbm>>
        %dma_wait3A_58 = tpu.memref_slice %arg5[%add3A_44] : memref<320000xf32, #tpu.memory_space<hbm>> -> memref<80xf32, #tpu.memory_space<hbm>>
        tpu.wait_dma2 semaphore(%run_scoped3A : memref<!tpu.dma_semaphore, #tpu.memory_space<semaphore_mem>>) src(%dma_wait3A_58 : memref<80xf32, #tpu.memory_space<hbm>>) dst(%arg9 : memref<80xf32, #tpu.memory_space<vmem>>)
        tpu.yield
      }) : () -> ()
      %dma_start3A = arith.constant 0 : i32
      %dma_start3A_45 = arith.constant 0 : i32
      %dma_start3A_46 = tpu.memref_slice %arg2[%dma_start3A, %dma_start3A_45] : memref<10000x16xf32, #tpu.memory_space<hbm>> -> memref<10000x16xf32, #tpu.memory_space<hbm>>
      tpu.enqueue_indirect_dma source(%dma_start3A_46 : memref<10000x16xf32, #tpu.memory_space<hbm>>) target(%arg10 : memref<80x16xf32, #tpu.memory_space<vmem>>) offsets(%arg7 : memref<80xi32, #tpu.memory_space<vmem>>) semaphore(%arg13 : memref<!tpu.dma_semaphore, #tpu.memory_space<semaphore_mem>>)
      %dma_wait3A = arith.constant 0 : i32
      %dma_wait3A_47 = arith.constant 0 : i32
      %dma_wait3A_48 = tpu.memref_slice %arg2[%dma_wait3A, %dma_wait3A_47] : memref<10000x16xf32, #tpu.memory_space<hbm>> -> memref<10000x16xf32, #tpu.memory_space<hbm>>
      tpu.wait_indirect_dma semaphore(%arg13 : memref<!tpu.dma_semaphore, #tpu.memory_space<semaphore_mem>>) src(%dma_wait3A_48 : memref<10000x16xf32, #tpu.memory_space<hbm>>) dst(%arg10 : memref<80x16xf32, #tpu.memory_space<vmem>>)
      %scan3A_49 = arith.constant 0 : i32
      %scan3A_50 = arith.constant 0 : i32
      %scan3A_51 = arith.constant 5 : i32
      %scan3A_52 = arith.addi %scan3A_50, %scan3A_51 : i32
      %scan3A_53 = arith.constant 1 : i32
      scf.for %scan3A_55 = %scan3A_50 to %scan3A_52 step %scan3A_53  : i32 {
        %mul3A_56 = arith.constant 16 : i32
        %mul3A_57 = arith.muli %scan3A_55, %mul3A_56 : i32
        %get3A = arith.index_cast %mul3A_57 : i32 to index
        %get3A_58 = tpu.vector_load %arg9[%get3A] {strides = array<i32>} : memref<80xf32, #tpu.memory_space<vmem>>, vector<16xf32>,
        %get3A_59 = vector.shape_cast %get3A_58 : vector<16xf32> to vector<16xf32>
        %mul3A_60 = arith.constant 16 : i32
        %mul3A_61 = arith.muli %scan3A_55, %mul3A_60 : i32
        %add3A_62 = arith.constant 0 : i32
        %add3A_63 = arith.addi %mul3A_61, %add3A_62 : i32
        %slice3A = vector.extract_strided_slice %get3A_59 {offsets = [0], sizes = [1], strides = [1]} : vector<16xf32> to vector<1xf32>
        %squeeze3A = vector.extract %slice3A[0] : f32 from vector<1xf32>
        %broadcast_in_dim3A_64 = vector.broadcast %squeeze3A : f32 to vector<16xf32>
        %get3A_65 = arith.index_cast %add3A_63 : i32 to index
        %get3A_66 = arith.constant 0 : index
        %get3A_67 = tpu.vector_load %arg10[%get3A_65, %get3A_66] {strides = array<i32>} : memref<80x16xf32, #tpu.memory_space<vmem>>, vector<1x16xf32>,
        %get3A_68 = vector.shape_cast %get3A_67 : vector<1x16xf32> to vector<16xf32>
        %mul3A_69 = arith.mulf %get3A_68, %broadcast_in_dim3A_64 : vector<16xf32>
        %swap3A = arith.index_cast %add3A_63 : i32 to index
        %swap3A_70 = arith.constant 0 : index
        %swap3A_71 = tpu.vector_load %arg10[%swap3A, %swap3A_70] {strides = array<i32>} : memref<80x16xf32, #tpu.memory_space<vmem>>, vector<1x16xf32>,
        %swap3A_72 = vector.shape_cast %swap3A_71 : vector<1x16xf32> to vector<16xf32>
        %swap3A_73 = vector.shape_cast %mul3A_69 : vector<16xf32> to vector<1x16xf32>
        tpu.vector_store %arg10[%swap3A, %swap3A_70], %swap3A_73 {strides = array<i32>} : memref<80x16xf32, #tpu.memory_space<vmem>>, vector<1x16xf32>,
        %mul3A_74 = arith.constant 16 : i32
        %mul3A_75 = arith.muli %scan3A_55, %mul3A_74 : i32
        %add3A_76 = arith.constant 1 : i32
        %add3A_77 = arith.addi %mul3A_75, %add3A_76 : i32
        %slice3A_78 = vector.extract_strided_slice %get3A_59 {offsets = [1], sizes = [1], strides = [1]} : vector<16xf32> to vector<1xf32>
        %squeeze3A_79 = vector.extract %slice3A_78[0] : f32 from vector<1xf32>
        %broadcast_in_dim3A_80 = vector.broadcast %squeeze3A_79 : f32 to vector<16xf32>
        %get3A_81 = arith.index_cast %add3A_77 : i32 to index
        %get3A_82 = arith.constant 0 : index
        %get3A_83 = tpu.vector_load %arg10[%get3A_81, %get3A_82] {strides = array<i32>} : memref<80x16xf32, #tpu.memory_space<vmem>>, vector<1x16xf32>,
        %get3A_84 = vector.shape_cast %get3A_83 : vector<1x16xf32> to vector<16xf32>
        %mul3A_85 = arith.mulf %get3A_84, %broadcast_in_dim3A_80 : vector<16xf32>
        %swap3A_86 = arith.index_cast %add3A_77 : i32 to index
        %swap3A_87 = arith.constant 0 : index
        %swap3A_88 = tpu.vector_load %arg10[%swap3A_86, %swap3A_87] {strides = array<i32>} : memref<80x16xf32, #tpu.memory_space<vmem>>, vector<1x16xf32>,
        %swap3A_89 = vector.shape_cast %swap3A_88 : vector<1x16xf32> to vector<16xf32>
        %swap3A_90 = vector.shape_cast %mul3A_85 : vector<16xf32> to vector<1x16xf32>
        tpu.vector_store %arg10[%swap3A_86, %swap3A_87], %swap3A_90 {strides = array<i32>} : memref<80x16xf32, #tpu.memory_space<vmem>>, vector<1x16xf32>,
        %mul3A_91 = arith.constant 16 : i32
        %mul3A_92 = arith.muli %scan3A_55, %mul3A_91 : i32
        %add3A_93 = arith.constant 2 : i32
        %add3A_94 = arith.addi %mul3A_92, %add3A_93 : i32
        %slice3A_95 = vector.extract_strided_slice %get3A_59 {offsets = [2], sizes = [1], strides = [1]} : vector<16xf32> to vector<1xf32>
        %squeeze3A_96 = vector.extract %slice3A_95[0] : f32 from vector<1xf32>
        %broadcast_in_dim3A_97 = vector.broadcast %squeeze3A_96 : f32 to vector<16xf32>
        %get3A_98 = arith.index_cast %add3A_94 : i32 to index
        %get3A_99 = arith.constant 0 : index
        %get3A_100 = tpu.vector_load %arg10[%get3A_98, %get3A_99] {strides = array<i32>} : memref<80x16xf32, #tpu.memory_space<vmem>>, vector<1x16xf32>,
        %get3A_101 = vector.shape_cast %get3A_100 : vector<1x16xf32> to vector<16xf32>
        %mul3A_102 = arith.mulf %get3A_101, %broadcast_in_dim3A_97 : vector<16xf32>
        %swap3A_103 = arith.index_cast %add3A_94 : i32 to index
        %swap3A_104 = arith.constant 0 : index
        %swap3A_105 = tpu.vector_load %arg10[%swap3A_103, %swap3A_104] {strides = array<i32>} : memref<80x16xf32, #tpu.memory_space<vmem>>, vector<1x16xf32>,
        %swap3A_106 = vector.shape_cast %swap3A_105 : vector<1x16xf32> to vector<16xf32>
        %swap3A_107 = vector.shape_cast %mul3A_102 : vector<16xf32> to vector<1x16xf32>
        tpu.vector_store %arg10[%swap3A_103, %swap3A_104], %swap3A_107 {strides = array<i32>} : memref<80x16xf32, #tpu.memory_space<vmem>>, vector<1x16xf32>,
        %mul3A_108 = arith.constant 16 : i32
        %mul3A_109 = arith.muli %scan3A_55, %mul3A_108 : i32
        %add3A_110 = arith.constant 3 : i32
        %add3A_111 = arith.addi %mul3A_109, %add3A_110 : i32
        %slice3A_112 = vector.extract_strided_slice %get3A_59 {offsets = [3], sizes = [1], strides = [1]} : vector<16xf32> to vector<1xf32>
        %squeeze3A_113 = vector.extract %slice3A_112[0] : f32 from vector<1xf32>
        %broadcast_in_dim3A_114 = vector.broadcast %squeeze3A_113 : f32 to vector<16xf32>
        %get3A_115 = arith.index_cast %add3A_111 : i32 to index
        %get3A_116 = arith.constant 0 : index
        %get3A_117 = tpu.vector_load %arg10[%get3A_115, %get3A_116] {strides = array<i32>} : memref<80x16xf32, #tpu.memory_space<vmem>>, vector<1x16xf32>,
        %get3A_118 = vector.shape_cast %get3A_117 : vector<1x16xf32> to vector<16xf32>
        %mul3A_119 = arith.mulf %get3A_118, %broadcast_in_dim3A_114 : vector<16xf32>
        %swap3A_120 = arith.index_cast %add3A_111 : i32 to index
        %swap3A_121 = arith.constant 0 : index
        %swap3A_122 = tpu.vector_load %arg10[%swap3A_120, %swap3A_121] {strides = array<i32>} : memref<80x16xf32, #tpu.memory_space<vmem>>, vector<1x16xf32>,
        %swap3A_123 = vector.shape_cast %swap3A_122 : vector<1x16xf32> to vector<16xf32>
        %swap3A_124 = vector.shape_cast %mul3A_119 : vector<16xf32> to vector<1x16xf32>
        tpu.vector_store %arg10[%swap3A_120, %swap3A_121], %swap3A_124 {strides = array<i32>} : memref<80x16xf32, #tpu.memory_space<vmem>>, vector<1x16xf32>,
        %mul3A_125 = arith.constant 16 : i32
        %mul3A_126 = arith.muli %scan3A_55, %mul3A_125 : i32
        %add3A_127 = arith.constant 4 : i32
        %add3A_128 = arith.addi %mul3A_126, %add3A_127 : i32
        %slice3A_129 = vector.extract_strided_slice %get3A_59 {offsets = [4], sizes = [1], strides = [1]} : vector<16xf32> to vector<1xf32>
        %squeeze3A_130 = vector.extract %slice3A_129[0] : f32 from vector<1xf32>
        %broadcast_in_dim3A_131 = vector.broadcast %squeeze3A_130 : f32 to vector<16xf32>
        %get3A_132 = arith.index_cast %add3A_128 : i32 to index
        %get3A_133 = arith.constant 0 : index
        %get3A_134 = tpu.vector_load %arg10[%get3A_132, %get3A_133] {strides = array<i32>} : memref<80x16xf32, #tpu.memory_space<vmem>>, vector<1x16xf32>,
        %get3A_135 = vector.shape_cast %get3A_134 : vector<1x16xf32> to vector<16xf32>
        %mul3A_136 = arith.mulf %get3A_135, %broadcast_in_dim3A_131 : vector<16xf32>
        %swap3A_137 = arith.index_cast %add3A_128 : i32 to index
        %swap3A_138 = arith.constant 0 : index
        %swap3A_139 = tpu.vector_load %arg10[%swap3A_137, %swap3A_138] {strides = array<i32>} : memref<80x16xf32, #tpu.memory_space<vmem>>, vector<1x16xf32>,
        %swap3A_140 = vector.shape_cast %swap3A_139 : vector<1x16xf32> to vector<16xf32>
        %swap3A_141 = vector.shape_cast %mul3A_136 : vector<16xf32> to vector<1x16xf32>
        tpu.vector_store %arg10[%swap3A_137, %swap3A_138], %swap3A_141 {strides = array<i32>} : memref<80x16xf32, #tpu.memory_space<vmem>>, vector<1x16xf32>,
        %mul3A_142 = arith.constant 16 : i32
        %mul3A_143 = arith.muli %scan3A_55, %mul3A_142 : i32
        %add3A_144 = arith.constant 5 : i32
        %add3A_145 = arith.addi %mul3A_143, %add3A_144 : i32
        %slice3A_146 = vector.extract_strided_slice %get3A_59 {offsets = [5], sizes = [1], strides = [1]} : vector<16xf32> to vector<1xf32>
        %squeeze3A_147 = vector.extract %slice3A_146[0] : f32 from vector<1xf32>
        %broadcast_in_dim3A_148 = vector.broadcast %squeeze3A_147 : f32 to vector<16xf32>
        %get3A_149 = arith.index_cast %add3A_145 : i32 to index
        %get3A_150 = arith.constant 0 : index
        %get3A_151 = tpu.vector_load %arg10[%get3A_149, %get3A_150] {strides = array<i32>} : memref<80x16xf32, #tpu.memory_space<vmem>>, vector<1x16xf32>,
        %get3A_152 = vector.shape_cast %get3A_151 : vector<1x16xf32> to vector<16xf32>
        %mul3A_153 = arith.mulf %get3A_152, %broadcast_in_dim3A_148 : vector<16xf32>
        %swap3A_154 = arith.index_cast %add3A_145 : i32 to index
        %swap3A_155 = arith.constant 0 : index
        %swap3A_156 = tpu.vector_load %arg10[%swap3A_154, %swap3A_155] {strides = array<i32>} : memref<80x16xf32, #tpu.memory_space<vmem>>, vector<1x16xf32>,
        %swap3A_157 = vector.shape_cast %swap3A_156 : vector<1x16xf32> to vector<16xf32>
        %swap3A_158 = vector.shape_cast %mul3A_153 : vector<16xf32> to vector<1x16xf32>
        tpu.vector_store %arg10[%swap3A_154, %swap3A_155], %swap3A_158 {strides = array<i32>} : memref<80x16xf32, #tpu.memory_space<vmem>>, vector<1x16xf32>,
        %mul3A_159 = arith.constant 16 : i32
        %mul3A_160 = arith.muli %scan3A_55, %mul3A_159 : i32
        %add3A_161 = arith.constant 6 : i32
        %add3A_162 = arith.addi %mul3A_160, %add3A_161 : i32
        %slice3A_163 = vector.extract_strided_slice %get3A_59 {offsets = [6], sizes = [1], strides = [1]} : vector<16xf32> to vector<1xf32>
        %squeeze3A_164 = vector.extract %slice3A_163[0] : f32 from vector<1xf32>
        %broadcast_in_dim3A_165 = vector.broadcast %squeeze3A_164 : f32 to vector<16xf32>
        %get3A_166 = arith.index_cast %add3A_162 : i32 to index
        %get3A_167 = arith.constant 0 : index
        %get3A_168 = tpu.vector_load %arg10[%get3A_166, %get3A_167] {strides = array<i32>} : memref<80x16xf32, #tpu.memory_space<vmem>>, vector<1x16xf32>,
        %get3A_169 = vector.shape_cast %get3A_168 : vector<1x16xf32> to vector<16xf32>
        %mul3A_170 = arith.mulf %get3A_169, %broadcast_in_dim3A_165 : vector<16xf32>
        %swap3A_171 = arith.index_cast %add3A_162 : i32 to index
        %swap3A_172 = arith.constant 0 : index
        %swap3A_173 = tpu.vector_load %arg10[%swap3A_171, %swap3A_172] {strides = array<i32>} : memref<80x16xf32, #tpu.memory_space<vmem>>, vector<1x16xf32>,
        %swap3A_174 = vector.shape_cast %swap3A_173 : vector<1x16xf32> to vector<16xf32>
        %swap3A_175 = vector.shape_cast %mul3A_170 : vector<16xf32> to vector<1x16xf32>
        tpu.vector_store %arg10[%swap3A_171, %swap3A_172], %swap3A_175 {strides = array<i32>} : memref<80x16xf32, #tpu.memory_space<vmem>>, vector<1x16xf32>,
        %mul3A_176 = arith.constant 16 : i32
        %mul3A_177 = arith.muli %scan3A_55, %mul3A_176 : i32
        %add3A_178 = arith.constant 7 : i32
        %add3A_179 = arith.addi %mul3A_177, %add3A_178 : i32
        %slice3A_180 = vector.extract_strided_slice %get3A_59 {offsets = [7], sizes = [1], strides = [1]} : vector<16xf32> to vector<1xf32>
        %squeeze3A_181 = vector.extract %slice3A_180[0] : f32 from vector<1xf32>
        %broadcast_in_dim3A_182 = vector.broadcast %squeeze3A_181 : f32 to vector<16xf32>
        %get3A_183 = arith.index_cast %add3A_179 : i32 to index
        %get3A_184 = arith.constant 0 : index
        %get3A_185 = tpu.vector_load %arg10[%get3A_183, %get3A_184] {strides = array<i32>} : memref<80x16xf32, #tpu.memory_space<vmem>>, vector<1x16xf32>,
        %get3A_186 = vector.shape_cast %get3A_185 : vector<1x16xf32> to vector<16xf32>
        %mul3A_187 = arith.mulf %get3A_186, %broadcast_in_dim3A_182 : vector<16xf32>
        %swap3A_188 = arith.index_cast %add3A_179 : i32 to index
        %swap3A_189 = arith.constant 0 : index
        %swap3A_190 = tpu.vector_load %arg10[%swap3A_188, %swap3A_189] {strides = array<i32>} : memref<80x16xf32, #tpu.memory_space<vmem>>, vector<1x16xf32>,
        %swap3A_191 = vector.shape_cast %swap3A_190 : vector<1x16xf32> to vector<16xf32>
        %swap3A_192 = vector.shape_cast %mul3A_187 : vector<16xf32> to vector<1x16xf32>
        tpu.vector_store %arg10[%swap3A_188, %swap3A_189], %swap3A_192 {strides = array<i32>} : memref<80x16xf32, #tpu.memory_space<vmem>>, vector<1x16xf32>,
        %mul3A_193 = arith.constant 16 : i32
        %mul3A_194 = arith.muli %scan3A_55, %mul3A_193 : i32
        %add3A_195 = arith.constant 8 : i32
        %add3A_196 = arith.addi %mul3A_194, %add3A_195 : i32
        %slice3A_197 = vector.extract_strided_slice %get3A_59 {offsets = [8], sizes = [1], strides = [1]} : vector<16xf32> to vector<1xf32>
        %squeeze3A_198 = vector.extract %slice3A_197[0] : f32 from vector<1xf32>
        %broadcast_in_dim3A_199 = vector.broadcast %squeeze3A_198 : f32 to vector<16xf32>
        %get3A_200 = arith.index_cast %add3A_196 : i32 to index
        %get3A_201 = arith.constant 0 : index
        %get3A_202 = tpu.vector_load %arg10[%get3A_200, %get3A_201] {strides = array<i32>} : memref<80x16xf32, #tpu.memory_space<vmem>>, vector<1x16xf32>,
        %get3A_203 = vector.shape_cast %get3A_202 : vector<1x16xf32> to vector<16xf32>
        %mul3A_204 = arith.mulf %get3A_203, %broadcast_in_dim3A_199 : vector<16xf32>
        %swap3A_205 = arith.index_cast %add3A_196 : i32 to index
        %swap3A_206 = arith.constant 0 : index
        %swap3A_207 = tpu.vector_load %arg10[%swap3A_205, %swap3A_206] {strides = array<i32>} : memref<80x16xf32, #tpu.memory_space<vmem>>, vector<1x16xf32>,
        %swap3A_208 = vector.shape_cast %swap3A_207 : vector<1x16xf32> to vector<16xf32>
        %swap3A_209 = vector.shape_cast %mul3A_204 : vector<16xf32> to vector<1x16xf32>
        tpu.vector_store %arg10[%swap3A_205, %swap3A_206], %swap3A_209 {strides = array<i32>} : memref<80x16xf32, #tpu.memory_space<vmem>>, vector<1x16xf32>,
        %mul3A_210 = arith.constant 16 : i32
        %mul3A_211 = arith.muli %scan3A_55, %mul3A_210 : i32
        %add3A_212 = arith.constant 9 : i32
        %add3A_213 = arith.addi %mul3A_211, %add3A_212 : i32
        %slice3A_214 = vector.extract_strided_slice %get3A_59 {offsets = [9], sizes = [1], strides = [1]} : vector<16xf32> to vector<1xf32>
        %squeeze3A_215 = vector.extract %slice3A_214[0] : f32 from vector<1xf32>
        %broadcast_in_dim3A_216 = vector.broadcast %squeeze3A_215 : f32 to vector<16xf32>
        %get3A_217 = arith.index_cast %add3A_213 : i32 to index
        %get3A_218 = arith.constant 0 : index
        %get3A_219 = tpu.vector_load %arg10[%get3A_217, %get3A_218] {strides = array<i32>} : memref<80x16xf32, #tpu.memory_space<vmem>>, vector<1x16xf32>,
        %get3A_220 = vector.shape_cast %get3A_219 : vector<1x16xf32> to vector<16xf32>
        %mul3A_221 = arith.mulf %get3A_220, %broadcast_in_dim3A_216 : vector<16xf32>
        %swap3A_222 = arith.index_cast %add3A_213 : i32 to index
        %swap3A_223 = arith.constant 0 : index
        %swap3A_224 = tpu.vector_load %arg10[%swap3A_222, %swap3A_223] {strides = array<i32>} : memref<80x16xf32, #tpu.memory_space<vmem>>, vector<1x16xf32>,
        %swap3A_225 = vector.shape_cast %swap3A_224 : vector<1x16xf32> to vector<16xf32>
        %swap3A_226 = vector.shape_cast %mul3A_221 : vector<16xf32> to vector<1x16xf32>
        tpu.vector_store %arg10[%swap3A_222, %swap3A_223], %swap3A_226 {strides = array<i32>} : memref<80x16xf32, #tpu.memory_space<vmem>>, vector<1x16xf32>,
        %mul3A_227 = arith.constant 16 : i32
        %mul3A_228 = arith.muli %scan3A_55, %mul3A_227 : i32
        %add3A_229 = arith.constant 10 : i32
        %add3A_230 = arith.addi %mul3A_228, %add3A_229 : i32
        %slice3A_231 = vector.extract_strided_slice %get3A_59 {offsets = [10], sizes = [1], strides = [1]} : vector<16xf32> to vector<1xf32>
        %squeeze3A_232 = vector.extract %slice3A_231[0] : f32 from vector<1xf32>
        %broadcast_in_dim3A_233 = vector.broadcast %squeeze3A_232 : f32 to vector<16xf32>
        %get3A_234 = arith.index_cast %add3A_230 : i32 to index
        %get3A_235 = arith.constant 0 : index
        %get3A_236 = tpu.vector_load %arg10[%get3A_234, %get3A_235] {strides = array<i32>} : memref<80x16xf32, #tpu.memory_space<vmem>>, vector<1x16xf32>,
        %get3A_237 = vector.shape_cast %get3A_236 : vector<1x16xf32> to vector<16xf32>
        %mul3A_238 = arith.mulf %get3A_237, %broadcast_in_dim3A_233 : vector<16xf32>
        %swap3A_239 = arith.index_cast %add3A_230 : i32 to index
        %swap3A_240 = arith.constant 0 : index
        %swap3A_241 = tpu.vector_load %arg10[%swap3A_239, %swap3A_240] {strides = array<i32>} : memref<80x16xf32, #tpu.memory_space<vmem>>, vector<1x16xf32>,
        %swap3A_242 = vector.shape_cast %swap3A_241 : vector<1x16xf32> to vector<16xf32>
        %swap3A_243 = vector.shape_cast %mul3A_238 : vector<16xf32> to vector<1x16xf32>
        tpu.vector_store %arg10[%swap3A_239, %swap3A_240], %swap3A_243 {strides = array<i32>} : memref<80x16xf32, #tpu.memory_space<vmem>>, vector<1x16xf32>,
        %mul3A_244 = arith.constant 16 : i32
        %mul3A_245 = arith.muli %scan3A_55, %mul3A_244 : i32
        %add3A_246 = arith.constant 11 : i32
        %add3A_247 = arith.addi %mul3A_245, %add3A_246 : i32
        %slice3A_248 = vector.extract_strided_slice %get3A_59 {offsets = [11], sizes = [1], strides = [1]} : vector<16xf32> to vector<1xf32>
        %squeeze3A_249 = vector.extract %slice3A_248[0] : f32 from vector<1xf32>
        %broadcast_in_dim3A_250 = vector.broadcast %squeeze3A_249 : f32 to vector<16xf32>
        %get3A_251 = arith.index_cast %add3A_247 : i32 to index
        %get3A_252 = arith.constant 0 : index
        %get3A_253 = tpu.vector_load %arg10[%get3A_251, %get3A_252] {strides = array<i32>} : memref<80x16xf32, #tpu.memory_space<vmem>>, vector<1x16xf32>,
        %get3A_254 = vector.shape_cast %get3A_253 : vector<1x16xf32> to vector<16xf32>
        %mul3A_255 = arith.mulf %get3A_254, %broadcast_in_dim3A_250 : vector<16xf32>
        %swap3A_256 = arith.index_cast %add3A_247 : i32 to index
        %swap3A_257 = arith.constant 0 : index
        %swap3A_258 = tpu.vector_load %arg10[%swap3A_256, %swap3A_257] {strides = array<i32>} : memref<80x16xf32, #tpu.memory_space<vmem>>, vector<1x16xf32>,
        %swap3A_259 = vector.shape_cast %swap3A_258 : vector<1x16xf32> to vector<16xf32>
        %swap3A_260 = vector.shape_cast %mul3A_255 : vector<16xf32> to vector<1x16xf32>
        tpu.vector_store %arg10[%swap3A_256, %swap3A_257], %swap3A_260 {strides = array<i32>} : memref<80x16xf32, #tpu.memory_space<vmem>>, vector<1x16xf32>,
        %mul3A_261 = arith.constant 16 : i32
        %mul3A_262 = arith.muli %scan3A_55, %mul3A_261 : i32
        %add3A_263 = arith.constant 12 : i32
        %add3A_264 = arith.addi %mul3A_262, %add3A_263 : i32
        %slice3A_265 = vector.extract_strided_slice %get3A_59 {offsets = [12], sizes = [1], strides = [1]} : vector<16xf32> to vector<1xf32>
        %squeeze3A_266 = vector.extract %slice3A_265[0] : f32 from vector<1xf32>
        %broadcast_in_dim3A_267 = vector.broadcast %squeeze3A_266 : f32 to vector<16xf32>
        %get3A_268 = arith.index_cast %add3A_264 : i32 to index
        %get3A_269 = arith.constant 0 : index
        %get3A_270 = tpu.vector_load %arg10[%get3A_268, %get3A_269] {strides = array<i32>} : memref<80x16xf32, #tpu.memory_space<vmem>>, vector<1x16xf32>,
        %get3A_271 = vector.shape_cast %get3A_270 : vector<1x16xf32> to vector<16xf32>
        %mul3A_272 = arith.mulf %get3A_271, %broadcast_in_dim3A_267 : vector<16xf32>
        %swap3A_273 = arith.index_cast %add3A_264 : i32 to index
        %swap3A_274 = arith.constant 0 : index
        %swap3A_275 = tpu.vector_load %arg10[%swap3A_273, %swap3A_274] {strides = array<i32>} : memref<80x16xf32, #tpu.memory_space<vmem>>, vector<1x16xf32>,
        %swap3A_276 = vector.shape_cast %swap3A_275 : vector<1x16xf32> to vector<16xf32>
        %swap3A_277 = vector.shape_cast %mul3A_272 : vector<16xf32> to vector<1x16xf32>
        tpu.vector_store %arg10[%swap3A_273, %swap3A_274], %swap3A_277 {strides = array<i32>} : memref<80x16xf32, #tpu.memory_space<vmem>>, vector<1x16xf32>,
        %mul3A_278 = arith.constant 16 : i32
        %mul3A_279 = arith.muli %scan3A_55, %mul3A_278 : i32
        %add3A_280 = arith.constant 13 : i32
        %add3A_281 = arith.addi %mul3A_279, %add3A_280 : i32
        %slice3A_282 = vector.extract_strided_slice %get3A_59 {offsets = [13], sizes = [1], strides = [1]} : vector<16xf32> to vector<1xf32>
        %squeeze3A_283 = vector.extract %slice3A_282[0] : f32 from vector<1xf32>
        %broadcast_in_dim3A_284 = vector.broadcast %squeeze3A_283 : f32 to vector<16xf32>
        %get3A_285 = arith.index_cast %add3A_281 : i32 to index
        %get3A_286 = arith.constant 0 : index
        %get3A_287 = tpu.vector_load %arg10[%get3A_285, %get3A_286] {strides = array<i32>} : memref<80x16xf32, #tpu.memory_space<vmem>>, vector<1x16xf32>,
        %get3A_288 = vector.shape_cast %get3A_287 : vector<1x16xf32> to vector<16xf32>
        %mul3A_289 = arith.mulf %get3A_288, %broadcast_in_dim3A_284 : vector<16xf32>
        %swap3A_290 = arith.index_cast %add3A_281 : i32 to index
        %swap3A_291 = arith.constant 0 : index
        %swap3A_292 = tpu.vector_load %arg10[%swap3A_290, %swap3A_291] {strides = array<i32>} : memref<80x16xf32, #tpu.memory_space<vmem>>, vector<1x16xf32>,
        %swap3A_293 = vector.shape_cast %swap3A_292 : vector<1x16xf32> to vector<16xf32>
        %swap3A_294 = vector.shape_cast %mul3A_289 : vector<16xf32> to vector<1x16xf32>
        tpu.vector_store %arg10[%swap3A_290, %swap3A_291], %swap3A_294 {strides = array<i32>} : memref<80x16xf32, #tpu.memory_space<vmem>>, vector<1x16xf32>,
        %mul3A_295 = arith.constant 16 : i32
        %mul3A_296 = arith.muli %scan3A_55, %mul3A_295 : i32
        %add3A_297 = arith.constant 14 : i32
        %add3A_298 = arith.addi %mul3A_296, %add3A_297 : i32
        %slice3A_299 = vector.extract_strided_slice %get3A_59 {offsets = [14], sizes = [1], strides = [1]} : vector<16xf32> to vector<1xf32>
        %squeeze3A_300 = vector.extract %slice3A_299[0] : f32 from vector<1xf32>
        %broadcast_in_dim3A_301 = vector.broadcast %squeeze3A_300 : f32 to vector<16xf32>
        %get3A_302 = arith.index_cast %add3A_298 : i32 to index
        %get3A_303 = arith.constant 0 : index
        %get3A_304 = tpu.vector_load %arg10[%get3A_302, %get3A_303] {strides = array<i32>} : memref<80x16xf32, #tpu.memory_space<vmem>>, vector<1x16xf32>,
        %get3A_305 = vector.shape_cast %get3A_304 : vector<1x16xf32> to vector<16xf32>
        %mul3A_306 = arith.mulf %get3A_305, %broadcast_in_dim3A_301 : vector<16xf32>
        %swap3A_307 = arith.index_cast %add3A_298 : i32 to index
        %swap3A_308 = arith.constant 0 : index
        %swap3A_309 = tpu.vector_load %arg10[%swap3A_307, %swap3A_308] {strides = array<i32>} : memref<80x16xf32, #tpu.memory_space<vmem>>, vector<1x16xf32>,
        %swap3A_310 = vector.shape_cast %swap3A_309 : vector<1x16xf32> to vector<16xf32>
        %swap3A_311 = vector.shape_cast %mul3A_306 : vector<16xf32> to vector<1x16xf32>
        tpu.vector_store %arg10[%swap3A_307, %swap3A_308], %swap3A_311 {strides = array<i32>} : memref<80x16xf32, #tpu.memory_space<vmem>>, vector<1x16xf32>,
        %mul3A_312 = arith.constant 16 : i32
        %mul3A_313 = arith.muli %scan3A_55, %mul3A_312 : i32
        %add3A_314 = arith.constant 15 : i32
        %add3A_315 = arith.addi %mul3A_313, %add3A_314 : i32
        %slice3A_316 = vector.extract_strided_slice %get3A_59 {offsets = [15], sizes = [1], strides = [1]} : vector<16xf32> to vector<1xf32>
        %squeeze3A_317 = vector.extract %slice3A_316[0] : f32 from vector<1xf32>
        %broadcast_in_dim3A_318 = vector.broadcast %squeeze3A_317 : f32 to vector<16xf32>
        %get3A_319 = arith.index_cast %add3A_315 : i32 to index
        %get3A_320 = arith.constant 0 : index
        %get3A_321 = tpu.vector_load %arg10[%get3A_319, %get3A_320] {strides = array<i32>} : memref<80x16xf32, #tpu.memory_space<vmem>>, vector<1x16xf32>,
        %get3A_322 = vector.shape_cast %get3A_321 : vector<1x16xf32> to vector<16xf32>
        %mul3A_323 = arith.mulf %get3A_322, %broadcast_in_dim3A_318 : vector<16xf32>
        %swap3A_324 = arith.index_cast %add3A_315 : i32 to index
        %swap3A_325 = arith.constant 0 : index
        %swap3A_326 = tpu.vector_load %arg10[%swap3A_324, %swap3A_325] {strides = array<i32>} : memref<80x16xf32, #tpu.memory_space<vmem>>, vector<1x16xf32>,
        %swap3A_327 = vector.shape_cast %swap3A_326 : vector<1x16xf32> to vector<16xf32>
        %swap3A_328 = vector.shape_cast %mul3A_323 : vector<16xf32> to vector<1x16xf32>
        tpu.vector_store %arg10[%swap3A_324, %swap3A_325], %swap3A_328 {strides = array<i32>} : memref<80x16xf32, #tpu.memory_space<vmem>>, vector<1x16xf32>,
      }
      %scan3A_54 = arith.constant 5 : i32
      "tpu.region"() ({
        %run_scoped3A = tpu.sem_alloc : memref<!tpu.dma_semaphore, #tpu.memory_space<semaphore_mem>>
        %dma_start3A_55 = arith.constant 0 : i32
        %dma_start3A_56 = arith.constant 0 : i32
        %dma_start3A_57 = tpu.memref_slice %arg12[%dma_start3A_55, %dma_start3A_56] : memref<10000x16xf32, #tpu.memory_space<vmem_shared>> -> memref<10000x16xf32, #tpu.memory_space<vmem_shared>>
        tpu.enqueue_indirect_dma source(%arg10 : memref<80x16xf32, #tpu.memory_space<vmem>>) target(%dma_start3A_57 : memref<10000x16xf32, #tpu.memory_space<vmem_shared>>) offsets(%arg8 : memref<80xi32, #tpu.memory_space<vmem>>) semaphore(%run_scoped3A : memref<!tpu.dma_semaphore, #tpu.memory_space<semaphore_mem>>) {add = true}
        %dma_wait3A_58 = arith.constant 0 : i32
        %dma_wait3A_59 = arith.constant 0 : i32
        %dma_wait3A_60 = tpu.memref_slice %arg12[%dma_wait3A_58, %dma_wait3A_59] : memref<10000x16xf32, #tpu.memory_space<vmem_shared>> -> memref<10000x16xf32, #tpu.memory_space<vmem_shared>>
        tpu.wait_indirect_dma semaphore(%run_scoped3A : memref<!tpu.dma_semaphore, #tpu.memory_space<semaphore_mem>>) src(%arg10 : memref<80x16xf32, #tpu.memory_space<vmem>>) dst(%dma_wait3A_60 : memref<10000x16xf32, #tpu.memory_space<vmem_shared>>)
        tpu.yield
      }) : () -> ()
    }
    %scan3A_21 = arith.constant 125 : i32
    %barrier3A_22 = arith.constant 0 : index
    tpu.barrier barrier_id(%barrier3A_22)
    %add3A_23 = arith.constant 0 : i32
    %add3A_24 = arith.addi %arg1, %add3A_23 : i32
    %lt3A_25 = arith.constant 25 : i32
    %lt3A_26 = arith.cmpi slt, %add3A_24, %lt3A_25 : i32
    %convert_element_type3A_27 = arith.extui %lt3A_26 : i1 to i32
    %cond3A_28 = arith.constant 0 : i32
    %cond3A_29 = arith.cmpi ne, %convert_element_type3A_27, %cond3A_28 : i32
    scf.if %cond3A_29 {
      %mul3A = arith.constant 400 : i32
      %mul3A_37 = arith.muli %add3A_24, %mul3A : i32
      %mul3A_38 = arith.constant 10000 : i32
      %mul3A_39 = arith.muli %arg0, %mul3A_38 : i32
      %mul3A_40 = arith.constant 400 : i32
      %mul3A_41 = arith.muli %add3A_24, %mul3A_40 : i32
      %add3A_42 = arith.addi %mul3A_39, %mul3A_41 : i32
      "tpu.region"() ({
        %run_scoped3A = tpu.sem_alloc : memref<!tpu.dma_semaphore, #tpu.memory_space<semaphore_mem>>
        %dma_start3A = arith.constant 0 : i32
        %dma_start3A_43 = tpu.memref_slice %arg6[%add3A_42, %dma_start3A] : memref<20000x16xf32, #tpu.memory_space<hbm>> -> memref<400x16xf32, #tpu.memory_space<hbm>>
        %dma_start3A_44 = arith.constant 0 : i32
        %dma_start3A_45 = tpu.memref_slice %arg12[%mul3A_37, %dma_start3A_44] : memref<10000x16xf32, #tpu.memory_space<vmem_shared>> -> memref<400x16xf32, #tpu.memory_space<vmem_shared>>
        tpu.enqueue_dma source(%dma_start3A_45 : memref<400x16xf32, #tpu.memory_space<vmem_shared>>) target(%dma_start3A_43 : memref<400x16xf32, #tpu.memory_space<hbm>>) target_semaphore(%run_scoped3A : memref<!tpu.dma_semaphore, #tpu.memory_space<semaphore_mem>>)
        %dma_wait3A = arith.constant 0 : i32
        %dma_wait3A_46 = tpu.memref_slice %arg6[%add3A_42, %dma_wait3A] : memref<20000x16xf32, #tpu.memory_space<hbm>> -> memref<400x16xf32, #tpu.memory_space<hbm>>
        %dma_wait3A_47 = arith.constant 0 : i32
        %dma_wait3A_48 = tpu.memref_slice %arg12[%mul3A_37, %dma_wait3A_47] : memref<10000x16xf32, #tpu.memory_space<vmem_shared>> -> memref<400x16xf32, #tpu.memory_space<vmem_shared>>
        tpu.wait_dma2 semaphore(%run_scoped3A : memref<!tpu.dma_semaphore, #tpu.memory_space<semaphore_mem>>) src(%dma_wait3A_48 : memref<400x16xf32, #tpu.memory_space<vmem_shared>>) dst(%dma_wait3A_46 : memref<400x16xf32, #tpu.memory_space<hbm>>)
        tpu.yield
      }) : () -> ()
    } else {
    }
    %add3A_30 = arith.constant 16 : i32
    %add3A_31 = arith.addi %arg1, %add3A_30 : i32
    %lt3A_32 = arith.constant 25 : i32
    %lt3A_33 = arith.cmpi slt, %add3A_31, %lt3A_32 : i32
    %convert_element_type3A_34 = arith.extui %lt3A_33 : i1 to i32
    %cond3A_35 = arith.constant 0 : i32
    %cond3A_36 = arith.cmpi ne, %convert_element_type3A_34, %cond3A_35 : i32
    scf.if %cond3A_36 {
      %mul3A = arith.constant 400 : i32
      %mul3A_37 = arith.muli %add3A_31, %mul3A : i32
      %mul3A_38 = arith.constant 10000 : i32
      %mul3A_39 = arith.muli %arg0, %mul3A_38 : i32
      %mul3A_40 = arith.constant 400 : i32
      %mul3A_41 = arith.muli %add3A_31, %mul3A_40 : i32
      %add3A_42 = arith.addi %mul3A_39, %mul3A_41 : i32
      "tpu.region"() ({
        %run_scoped3A = tpu.sem_alloc : memref<!tpu.dma_semaphore, #tpu.memory_space<semaphore_mem>>
        %dma_start3A = arith.constant 0 : i32
        %dma_start3A_43 = tpu.memref_slice %arg6[%add3A_42, %dma_start3A] : memref<20000x16xf32, #tpu.memory_space<hbm>> -> memref<400x16xf32, #tpu.memory_space<hbm>>
        %dma_start3A_44 = arith.constant 0 : i32
        %dma_start3A_45 = tpu.memref_slice %arg12[%mul3A_37, %dma_start3A_44] : memref<10000x16xf32, #tpu.memory_space<vmem_shared>> -> memref<400x16xf32, #tpu.memory_space<vmem_shared>>
        tpu.enqueue_dma source(%dma_start3A_45 : memref<400x16xf32, #tpu.memory_space<vmem_shared>>) target(%dma_start3A_43 : memref<400x16xf32, #tpu.memory_space<hbm>>) target_semaphore(%run_scoped3A : memref<!tpu.dma_semaphore, #tpu.memory_space<semaphore_mem>>)
        %dma_wait3A = arith.constant 0 : i32
        %dma_wait3A_46 = tpu.memref_slice %arg6[%add3A_42, %dma_wait3A] : memref<20000x16xf32, #tpu.memory_space<hbm>> -> memref<400x16xf32, #tpu.memory_space<hbm>>
        %dma_wait3A_47 = arith.constant 0 : i32
        %dma_wait3A_48 = tpu.memref_slice %arg12[%mul3A_37, %dma_wait3A_47] : memref<10000x16xf32, #tpu.memory_space<vmem_shared>> -> memref<400x16xf32, #tpu.memory_space<vmem_shared>>
        tpu.wait_dma2 semaphore(%run_scoped3A : memref<!tpu.dma_semaphore, #tpu.memory_space<semaphore_mem>>) src(%dma_wait3A_48 : memref<400x16xf32, #tpu.memory_space<vmem_shared>>) dst(%dma_wait3A_46 : memref<400x16xf32, #tpu.memory_space<hbm>>)
        tpu.yield
      }) : () -> ()
    } else {
    }
    return
  }
}

module attributes {stable_mosaic.version = 14 : i64} {
  func.func @_mm_body(%arg0: i32, %arg1: memref<1000x128xf32, #tpu.memory_space<vmem>>, %arg2: memref<128x128xf32, #tpu.memory_space<vmem>>, %arg3: memref<1000x128xf32, #tpu.memory_space<vmem>>) attributes {dimension_semantics = [#tpu.dimension_semantics<arbitrary>], iteration_bounds = array<i64: 10>, scalar_prefetch = 0 : i64, scratch_operands = 0 : i64, tpu.core_type = #tpu.core_type<tc>, window_params = [{transform_indices = @transform_0, window_bounds = array<i64: 1000, 128>}, {pipeline_mode = #tpu.pipeline_mode<synchronous>, transform_indices = @transform_1, window_bounds = array<i64: 128, 128>}, {transform_indices = @transform_2, window_bounds = array<i64: 1000, 128>}]} {
    %get3A = arith.constant 0 : index
    %get3A_0 = arith.constant 0 : index
    %get3A_1 = vector.load %arg1[%get3A, %get3A_0] : memref<1000x128xf32, #tpu.memory_space<vmem>>, vector<1000x128xf32>
    %get3A_2 = arith.constant 0 : index
    %get3A_3 = arith.constant 0 : index
    %get3A_4 = vector.load %arg2[%get3A_2, %get3A_3] : memref<128x128xf32, #tpu.memory_space<vmem>>, vector<128x128xf32>
    %dot_general3A = arith.constant dense<0.000000e+00> : vector<1000x128xf32>
    %dot_general3A_5 = tpu.matmul %get3A_1, %get3A_4, %dot_general3A {dimension_numbers = #tpu.dot_dimension_numbers<[1], [0], [0], [1], [0, 0, 1, 1], [], []>, transpose_lhs_hint = false} : vector<1000x128xf32>, vector<128x128xf32>, vector<1000x128xf32> -> vector<1000x128xf32>
    %swap3A = arith.constant 0 : index
    %swap3A_6 = arith.constant 0 : index
    %swap3A_7 = vector.load %arg3[%swap3A, %swap3A_6] : memref<1000x128xf32, #tpu.memory_space<vmem>>, vector<1000x128xf32>
    tpu.vector_store %arg3[%swap3A, %swap3A_6], %dot_general3A_5 {strides = array<i32>} : memref<1000x128xf32, #tpu.memory_space<vmem>>, vector<1000x128xf32>,
    return
  }
  func.func @transform_0(%arg0: i32) -> (i32, i32) {
    %c0_i32 = arith.constant 0 : i32
    %c0_i32_0 = arith.constant 0 : i32
    return %arg0, %c0_i32 : i32, i32
  }
  func.func @transform_1(%arg0: i32) -> (i32, i32) {
    %c0_i32 = arith.constant 0 : i32
    %c0_i32_0 = arith.constant 0 : i32
    %c0_i32_1 = arith.constant 0 : i32
    return %c0_i32, %c0_i32_0 : i32, i32
  }
  func.func @transform_2(%arg0: i32) -> (i32, i32) {
    %c0_i32 = arith.constant 0 : i32
    %c0_i32_0 = arith.constant 0 : i32
    return %arg0, %c0_i32 : i32, i32
  }
}

module attributes {stable_mosaic.version = 14 : i64} {
  func.func @_mid_body(%arg0: i32, %arg1: memref<2x1000x64xf32, #tpu.memory_space<vmem>>, %arg2: memref<1x128xf32, #tpu.memory_space<vmem>>, %arg3: memref<1000x1xf32, #tpu.memory_space<vmem>>, %arg4: memref<128x16xf32, #tpu.memory_space<vmem>>, %arg5: memref<1000x16xf32, #tpu.memory_space<vmem>>) attributes {dimension_semantics = [#tpu.dimension_semantics<arbitrary>], iteration_bounds = array<i64: 10>, scalar_prefetch = 0 : i64, scratch_operands = 0 : i64, tpu.core_type = #tpu.core_type<tc>, window_params = [{transform_indices = @transform_0, window_bounds = array<i64: 2, 1000, 64>}, {pipeline_mode = #tpu.pipeline_mode<synchronous>, transform_indices = @transform_1, window_bounds = array<i64: 1, 128>}, {transform_indices = @transform_2, window_bounds = array<i64: 1000, 1>}, {pipeline_mode = #tpu.pipeline_mode<synchronous>, transform_indices = @transform_3, window_bounds = array<i64: 128, 16>}, {transform_indices = @transform_4, window_bounds = array<i64: 1000, 16>}]} {
    %get3A = arith.constant 0 : index
    %get3A_0 = arith.constant 0 : index
    %get3A_1 = arith.constant 0 : index
    %get3A_2 = vector.load %arg1[%get3A, %get3A_0, %get3A_1] : memref<2x1000x64xf32, #tpu.memory_space<vmem>>, vector<1x1000x64xf32>
    %get3A_3 = vector.shape_cast %get3A_2 : vector<1x1000x64xf32> to vector<1000x64xf32>
    %get3A_4 = arith.constant 1 : index
    %get3A_5 = arith.constant 0 : index
    %get3A_6 = arith.constant 0 : index
    %get3A_7 = vector.load %arg1[%get3A_4, %get3A_5, %get3A_6] : memref<2x1000x64xf32, #tpu.memory_space<vmem>>, vector<1x1000x64xf32>
    %get3A_8 = vector.shape_cast %get3A_7 : vector<1x1000x64xf32> to vector<1000x64xf32>
    %concatenate3A = tpu.concatenate %get3A_3, %get3A_8 in 1 : vector<1000x64xf32>, vector<1000x64xf32> -> vector<1000x128xf32>
    %get3A_9 = arith.constant 0 : index
    %get3A_10 = arith.constant 0 : index
    %get3A_11 = vector.load %arg2[%get3A_9, %get3A_10] : memref<1x128xf32, #tpu.memory_space<vmem>>, vector<1x128xf32>
    %add3A = vector.broadcast %get3A_11 : vector<1x128xf32> to vector<1000x128xf32>
    %add3A_12 = arith.addf %concatenate3A, %add3A : vector<1000x128xf32>
    %max3A = arith.constant 0.000000e+00 : f32
    %max3A_13 = vector.broadcast %max3A : f32 to vector<1000x128xf32>
    %max3A_14 = arith.maximumf %add3A_12, %max3A_13 : vector<1000x128xf32>
    %get3A_15 = arith.constant 0 : index
    %get3A_16 = arith.constant 0 : index
    %get3A_17 = vector.load %arg3[%get3A_15, %get3A_16] : memref<1000x1xf32, #tpu.memory_space<vmem>>, vector<1000x1xf32>
    %mul3A = vector.broadcast %get3A_17 : vector<1000x1xf32> to vector<1000x128xf32>
    %mul3A_18 = arith.mulf %max3A_14, %mul3A : vector<1000x128xf32>
    %get3A_19 = arith.constant 0 : index
    %get3A_20 = arith.constant 0 : index
    %get3A_21 = vector.load %arg4[%get3A_19, %get3A_20] : memref<128x16xf32, #tpu.memory_space<vmem>>, vector<128x16xf32>
    %dot_general3A = arith.constant dense<0.000000e+00> : vector<1000x16xf32>
    %dot_general3A_22 = tpu.matmul %mul3A_18, %get3A_21, %dot_general3A {dimension_numbers = #tpu.dot_dimension_numbers<[1], [0], [0], [1], [0, 0, 1, 1], [], []>, transpose_lhs_hint = false} : vector<1000x128xf32>, vector<128x16xf32>, vector<1000x16xf32> -> vector<1000x16xf32>
    %swap3A = arith.constant 0 : index
    %swap3A_23 = arith.constant 0 : index
    %swap3A_24 = vector.load %arg5[%swap3A, %swap3A_23] : memref<1000x16xf32, #tpu.memory_space<vmem>>, vector<1000x16xf32>
    tpu.vector_store %arg5[%swap3A, %swap3A_23], %dot_general3A_22 {strides = array<i32>} : memref<1000x16xf32, #tpu.memory_space<vmem>>, vector<1000x16xf32>,
    return
  }
  func.func @transform_0(%arg0: i32) -> (i32, i32, i32) {
    %c0_i32 = arith.constant 0 : i32
    %c0_i32_0 = arith.constant 0 : i32
    %c0_i32_1 = arith.constant 0 : i32
    return %c0_i32, %arg0, %c0_i32_0 : i32, i32, i32
  }
  func.func @transform_1(%arg0: i32) -> (i32, i32) {
    %c0_i32 = arith.constant 0 : i32
    %c0_i32_0 = arith.constant 0 : i32
    %c0_i32_1 = arith.constant 0 : i32
    return %c0_i32, %c0_i32_0 : i32, i32
  }
  func.func @transform_2(%arg0: i32) -> (i32, i32) {
    %c0_i32 = arith.constant 0 : i32
    %c0_i32_0 = arith.constant 0 : i32
    return %arg0, %c0_i32 : i32, i32
  }
  func.func @transform_3(%arg0: i32) -> (i32, i32) {
    %c0_i32 = arith.constant 0 : i32
    %c0_i32_0 = arith.constant 0 : i32
    %c0_i32_1 = arith.constant 0 : i32
    return %c0_i32, %c0_i32_0 : i32, i32
  }
  func.func @transform_4(%arg0: i32) -> (i32, i32) {
    %c0_i32 = arith.constant 0 : i32
    %c0_i32_0 = arith.constant 0 : i32
    return %arg0, %c0_i32 : i32, i32
  }
}

module attributes {stable_mosaic.version = 14 : i64} {
  func.func @_out_body(%arg0: i32, %arg1: memref<2x1000x16xf32, #tpu.memory_space<vmem>>, %arg2: memref<1x16xf32, #tpu.memory_space<vmem>>, %arg3: memref<1000x1xf32, #tpu.memory_space<vmem>>, %arg4: memref<1000x2xf32, #tpu.memory_space<vmem>>) attributes {dimension_semantics = [#tpu.dimension_semantics<arbitrary>], iteration_bounds = array<i64: 10>, scalar_prefetch = 0 : i64, scratch_operands = 0 : i64, tpu.core_type = #tpu.core_type<tc>, window_params = [{transform_indices = @transform_0, window_bounds = array<i64: 2, 1000, 16>}, {pipeline_mode = #tpu.pipeline_mode<synchronous>, transform_indices = @transform_1, window_bounds = array<i64: 1, 16>}, {transform_indices = @transform_2, window_bounds = array<i64: 1000, 1>}, {transform_indices = @transform_3, window_bounds = array<i64: 1000, 2>}]} {
    %get3A = arith.constant 0 : index
    %get3A_0 = arith.constant 0 : index
    %get3A_1 = arith.constant 0 : index
    %get3A_2 = vector.load %arg1[%get3A, %get3A_0, %get3A_1] : memref<2x1000x16xf32, #tpu.memory_space<vmem>>, vector<1x1000x16xf32>
    %get3A_3 = vector.shape_cast %get3A_2 : vector<1x1000x16xf32> to vector<1000x16xf32>
    %get3A_4 = arith.constant 1 : index
    %get3A_5 = arith.constant 0 : index
    %get3A_6 = arith.constant 0 : index
    %get3A_7 = vector.load %arg1[%get3A_4, %get3A_5, %get3A_6] : memref<2x1000x16xf32, #tpu.memory_space<vmem>>, vector<1x1000x16xf32>
    %get3A_8 = vector.shape_cast %get3A_7 : vector<1x1000x16xf32> to vector<1000x16xf32>
    %add3A = arith.addf %get3A_3, %get3A_8 : vector<1000x16xf32>
    %get3A_9 = arith.constant 0 : index
    %get3A_10 = arith.constant 0 : index
    %get3A_11 = vector.load %arg2[%get3A_9, %get3A_10] : memref<1x16xf32, #tpu.memory_space<vmem>>, vector<1x16xf32>
    %add3A_12 = vector.broadcast %get3A_11 : vector<1x16xf32> to vector<1000x16xf32>
    %add3A_13 = arith.addf %add3A, %add3A_12 : vector<1000x16xf32>
    %slice3A = vector.extract_strided_slice %add3A_13 {offsets = [0, 0], sizes = [1000, 2], strides = [1, 1]} : vector<1000x16xf32> to vector<1000x2xf32>
    %logistic3A = arith.negf %slice3A : vector<1000x2xf32>
    %logistic3A_14 = math.exp %logistic3A : vector<1000x2xf32>
    %logistic3A_15 = arith.constant 1.000000e+00 : f32
    %logistic3A_16 = vector.broadcast %logistic3A_15 : f32 to vector<1000x2xf32>
    %logistic3A_17 = arith.addf %logistic3A_16, %logistic3A_14 : vector<1000x2xf32>
    %logistic3A_18 = arith.divf %logistic3A_16, %logistic3A_17 : vector<1000x2xf32>
    %get3A_19 = arith.constant 0 : index
    %get3A_20 = arith.constant 0 : index
    %get3A_21 = vector.load %arg3[%get3A_19, %get3A_20] : memref<1000x1xf32, #tpu.memory_space<vmem>>, vector<1000x1xf32>
    %mul3A = vector.broadcast %get3A_21 : vector<1000x1xf32> to vector<1000x2xf32>
    %mul3A_22 = arith.mulf %logistic3A_18, %mul3A : vector<1000x2xf32>
    %swap3A = arith.constant 0 : index
    %swap3A_23 = arith.constant 0 : index
    %swap3A_24 = vector.load %arg4[%swap3A, %swap3A_23] : memref<1000x2xf32, #tpu.memory_space<vmem>>, vector<1000x2xf32>
    tpu.vector_store %arg4[%swap3A, %swap3A_23], %mul3A_22 {strides = array<i32>} : memref<1000x2xf32, #tpu.memory_space<vmem>>, vector<1000x2xf32>,
    return
  }
  func.func @transform_0(%arg0: i32) -> (i32, i32, i32) {
    %c0_i32 = arith.constant 0 : i32
    %c0_i32_0 = arith.constant 0 : i32
    %c0_i32_1 = arith.constant 0 : i32
    return %c0_i32, %arg0, %c0_i32_0 : i32, i32, i32
  }
  func.func @transform_1(%arg0: i32) -> (i32, i32) {
    %c0_i32 = arith.constant 0 : i32
    %c0_i32_0 = arith.constant 0 : i32
    %c0_i32_1 = arith.constant 0 : i32
    return %c0_i32, %c0_i32_0 : i32, i32
  }
  func.func @transform_2(%arg0: i32) -> (i32, i32) {
    %c0_i32 = arith.constant 0 : i32
    %c0_i32_0 = arith.constant 0 : i32
    return %arg0, %c0_i32 : i32, i32
  }
  func.func @transform_3(%arg0: i32) -> (i32, i32) {
    %c0_i32 = arith.constant 0 : i32
    %c0_i32_0 = arith.constant 0 : i32
    return %arg0, %c0_i32 : i32, i32
  }
}

</mosaic_0001>

<sc_bundles>
// kernel: kernel.10.cloned.1.call-start
scs
__scs_entry_jumppad:
0x0: {  	(pc) =	sbr.rel $0x88, $3  }
0x1: {  	(tag) =	ssettag $0x0;
	lr =	simm.s32 $0x1  }
0x2: {  	[smem:$0x3F99] =	sst lr;
	_ =	strace $0xD0000000  }
0x3: {  	_ = 	snop  }
0x4: {  	_ = 	snop  }
0x5: {  	_ = 	snop  }
0x6: {  	_ = 	snop  }
0x7: {  	_ = 	snop  }
__scs_overlays_trampoline_lowered:
0x8: {  	[smem:$0x3FA8] =	sst s0  }
0x9: {  	[smem:$0x3FA9] =	sst s1  }
0xa: {  	[smem:$0x3FAA] =	sst s2  }
0xb: {  	[smem:$0x3FAB] =	sst s3  }
0xc: {  	[smem:$0x3FAC] =	sst s4  }
0xd: {  	[smem:$0x3FAD] =	sst s5  }
0xe: {  	[smem:$0x3FAE] =	sst s6  }
0xf: {  	[smem:$0x3FAF] =	sst s7  }
0x10: {  	[smem:$0x3FB0] =	sst s8  }
0x11: {  	[smem:$0x3FB1] =	sst s9;
	s0 =	simm.s32 @!p0 $0x0  }
0x12: {  	s1 =	sld [smem:$0x3F97];
	s0 =	simm.s32 @p0 $0x1  }
0x13: {  	[smem:$0x3FB2] =	sst s0;
	s0 =	simm.s32 @!p1 $0x0  }
0x14: {  	s2 =	sld [smem:$0x3F96];
	s0 =	simm.s32 @p1 $0x1  }
0x15: {  	[smem:$0x3FB3] =	sst s0;
	s0 =	simm.s32 @!p2 $0x0  }
0x16: {  	s3 =	sld [smem:$0x3FDB];
	s0 =	simm.s32 @p2 $0x1  }
0x17: {  	s4 =	simm.s32 $0x1BF5;
	[smem:$0x3FB5] =	sst s0  }
0x18: {  	s0 =	sld [smem:$0x3F98];
	_ =	swait.ge [sflag:s4], $0x0  }
0x19: {  	s7 =	sld [smem:$0x3F99]  }
0x1a: {  	s8 =	sadd.s32 $0xFFFFE003, lr  }
0x1b: {  	s9 =	sadd.s32 $0xFFFFFEF7, lr;
	s5 =	simm.s32 $0xFFFFFFFF;
	p2 =	slt.u32 s8, $0xFFFFF086  }
0x1c: {  	p1 =	slt.u32 s9, $0xF7A;
	s5 =	simm.s32 @!p2 $0x0  }
0x1d: {  	s5 =	simm.s32 @p1 $0x1;
	p0 =	seq.s32 s7, s2  }
0x1e: {  	s7 =	smul.u32 @!p0 $0xF7A, s2;
	p2 =	seq.s32 @!p0 s5, $0x0  }
0x1f: {  	s9 =	smul.u32 $0xF7A, s1;
	s8 =	simm.s32 @!p0 $0x1BF5;
	p2 =	por !p2, p0  }
0x20: {  	[sflag:s8] =	ssyncset.s32 @!p0 $0xFFFFF086;
	s6 =	sadd.s32 @!p0 s3, s7;
	s7 =	simm.s32 @!p0 $0x108  }
0x21: {  	s3 =	sadd.s32 s3, s9;
	s6 =	sadd.s32 @!p0 $0x88, s6;
	s7 =	simm.s32 @p2 $0x1082  }
0x22: {  	[simem:s7], [sflag:s8] =	dma.local @!p0 [hbm:s6], $0xF7A  }
0x23: {  	s9 =	sor.u32 $0xD0000000, s2;
	s6 =	simm.s32 $0x108;
	_ =	swait.ge @!p0 [sflag:s8], $0x0  }
0x24: {  	s3 =	sadd.s32 $0x88, s3;
	s6 =	simm.s32 @!p1 $0x1082;
	[sflag:s4] =	ssyncset.s32 $0xFFFFF086  }
0x25: {  	[simem:s6], [sflag:s4] =	dma.local [hbm:s3], $0xF7A  }
0x26: {  	[smem:$0x3F99] =	sst s1;
	(tag) =	ssettag s2;
	_ =	strace s9  }
0x27: {  	s1 =	sld [smem:$0x3FA9]  }
0x28: {  	s2 =	sld [smem:$0x3FAA]  }
0x29: {  	s4 =	sld [smem:$0x3FAC]  }
0x2a: {  	p0 =	seq.s32 s5, $0x0;
	s5 =	sld [smem:$0x3FAD]  }
0x2b: {  	s6 =	sld [smem:$0x3FAE]  }
0x2c: {  	s7 =	sld [smem:$0x3FAF]  }
0x2d: {  	s3 =	simm.s32 $0x108;
	s8 =	sld [smem:$0x3FB0]  }
0x2e: {  	s3 =	simm.s32 @!p0 $0x1082;
	s9 =	sld [smem:$0x3FB1]  }
0x2f: {  	lr =	sadd.s32 s0, s3;
	s0 =	sld [smem:$0x3FA8]  }
0x30: {  	s3 =	sld [smem:$0x3FAB]  }
0x31: {  	[smem:$0x3FB4] =	sst s10  }
0x32: {  	s10 =	sld [smem:$0x3FB2];
	_ =	sdelay $0x3  }
0x33: {  	p0 =	seq.s32 s10, $0x1;
	s10 =	sld [smem:$0x3FB4];
	_ =	sdelay $0x3  }
0x34: {  	[smem:$0x3FB4] =	sst s10  }
0x35: {  	s10 =	sld [smem:$0x3FB3];
	_ =	sdelay $0x3  }
0x36: {  	p1 =	seq.s32 s10, $0x1;
	s10 =	sld [smem:$0x3FB4];
	_ =	sdelay $0x3  }
0x37: {  	[smem:$0x3FB4] =	sst s10  }
0x38: {  	s10 =	sld [smem:$0x3FB5]  }
0x39: {  	_ = 	snop;
	(pc) =	sbr.ind lr, $3  }
0x3a: {  	_ = 	snop  }
0x3b: {  	_ = 	snop  }
0x3c: {  	p2 =	seq.s32 s10, $0x1;
	s10 =	sld [smem:$0x3FB4]  }
0x3d: {  	_ =	shalt  }
0x3e: {  	_ =	shalt  }
0x3f: {  	_ =	shalt  }
0x40: {  	_ =	shalt  }
0x41: {  	_ =	shalt  }
0x42: {  	_ =	shalt  }
0x43: {  	_ =	shalt  }
0x44: {  	_ =	shalt  }
0x45: {  	_ =	shalt  }
0x46: {  	_ =	shalt  }
0x47: {  	_ =	shalt  }
0x48: {  	_ =	shalt  }
0x49: {  	_ =	shalt  }
0x4a: {  	_ =	shalt  }
0x4b: {  	_ =	shalt  }
0x4c: {  	_ =	shalt  }
0x4d: {  	_ =	shalt  }
0x4e: {  	_ =	shalt  }
0x4f: {  	_ =	shalt  }
0x50: {  	_ =	shalt  }
0x51: {  	_ =	shalt  }
0x52: {  	_ =	shalt  }
0x53: {  	_ =	shalt  }
0x54: {  	_ =	shalt  }
0x55: {  	_ =	shalt  }
0x56: {  	_ =	shalt  }
0x57: {  	_ =	shalt  }
0x58: {  	_ =	shalt  }
0x59: {  	_ =	shalt  }
0x5a: {  	_ =	shalt  }
0x5b: {  	_ =	shalt  }
0x5c: {  	_ =	shalt  }
0x5d: {  	_ =	shalt  }
0x5e: {  	_ =	shalt  }
0x5f: {  	_ =	shalt  }
0x60: {  	_ =	shalt  }
0x61: {  	_ =	shalt  }
0x62: {  	_ =	shalt  }
0x63: {  	_ =	shalt  }
0x64: {  	_ =	shalt  }
0x65: {  	_ =	shalt  }
0x66: {  	_ =	shalt  }
0x67: {  	_ =	shalt  }
0x68: {  	_ =	shalt  }
0x69: {  	_ =	shalt  }
0x6a: {  	_ =	shalt  }
0x6b: {  	_ =	shalt  }
0x6c: {  	_ =	shalt  }
0x6d: {  	_ =	shalt  }
0x6e: {  	_ =	shalt  }
0x6f: {  	_ =	shalt  }
0x70: {  	_ =	shalt  }
0x71: {  	_ =	shalt  }
0x72: {  	_ =	shalt  }
0x73: {  	_ =	shalt  }
0x74: {  	_ =	shalt  }
0x75: {  	_ =	shalt  }
0x76: {  	_ =	shalt  }
0x77: {  	_ =	shalt  }
0x78: {  	_ =	shalt  }
0x79: {  	_ =	shalt  }
0x7a: {  	_ =	shalt  }
0x7b: {  	_ =	shalt  }
0x7c: {  	_ =	shalt  }
0x7d: {  	_ =	shalt  }
0x7e: {  	_ =	shalt  }
0x7f: {  	_ =	shalt  }
0x80: {  	_ =	shalt  }
0x81: {  	_ =	shalt  }
0x82: {  	_ =	shalt  }
0x83: {  	_ =	shalt  }
0x84: {  	_ =	shalt  }
0x85: {  	_ =	shalt  }
0x86: {  	_ =	shalt  }
0x87: {  	_ =	shalt  }
.Lfunc_end0:
.L_simem_size_0:
called_computation.1_lowered:
.L_overlay_start_0:
0x88: {  	s2 =	sld [smem:$0x3FD9]  }
0x89: {  	s3 =	sld [smem:$0x3FFE];
	_ =	sdelay $0x1  }
0x8a: {  	s1 =	srdreg.scid  }
0x8b: {  	s0 =	sand.u32 $0x1, s1  }
0x8c: {  	s17 =	sshll.u32 s0, $0xA;
	s2 =	sadd.s32 s3, s2  }
0x8d: {  	s2 =	sadd.s32 s2, s17  }
0x8e: {  	[smem:$0x3FC0] =	sst s2  }
0x8f: {  	_ = 	snop  }
0x90: {  	s2 =	sld [smem:$0x3FC7];
	(tm) =	ssettm $0x1  }
0x91: {  	s18 =	sld [smem:$0x3FFB];
	_ =	sdelay $0x3  }
0x92: {  	_ =	strace s18  }
0x93: {  	s3 =	sld [smem:$0x3FFC];
	_ =	sdelay $0x3  }
0x94: {  	_ =	strace s3  }
0x95: {  	s3 =	sld [smem:$0x3FFD];
	_ =	sdelay $0x3  }
0x96: {  	_ =	strace s3  }
0x97: {  	_ =	strace $0x8FFFFFFF  }
0x98: {  	s19 =	sld [smem:$0x3FDB];
	_ =	sdelay $0x1  }
0x99: {  	s4 =	simm.s32 $_scs_section_size  }
0x9a: {  	s5 =	simm.s32 $_size__tile_overlayer_lowered;
	s6 =	simm.s32 $_tile_overlayer_lowered  }
0x9b: {  	s22 =	simm.s32 $0x1BFF;
	s21 =	sshll.u32 s6, $0x1;
	s3 =	sadd.s32 s4, s19  }
0x9c: {  	s7 =	simm.s32 $0x0;
	s20 =	sshll.u32 s5, $0x1;
	s5 =	sadd.s32 s21, s3  }
0x9d: {  	[timem:s7], [sflag:s22] =	dma.local [hbm:s5], s20  }
0x9e: {  	_ =	swait.ge [sflag:s22], s20  }
0x9f: {  	s4 =	ssub.s32 $0x0, s20;
	[sflag:s22] =	ssyncset.done $0x0  }
0xa0: {  	[sflag:s22] =	ssyncadd.s32 s4;
	_ =	sdelay $0x1  }
0xa1: {  	s23 =	simm.s32 $0x1B8B  }
0xa2: {  	_ =	swait.ge [sflag:s23], $0x1  }
0xa3: {  	[sflag:s23] =	ssyncset.done $0x0  }
0xa4: {  	s25 =	simm.s32 $0x1B8E;
	s24 =	sld [smem:$0x3FFE];
	[sflag:s23] =	ssyncadd.s32 $0xFFFFFFFF  }
0xa5: {  	s26 =	simm.s32 $execute0_lowered;
	[smem:$0x3FD2] =	sst s25  }
0xa6: {  	s5 =	sshll.u32 s26, $0x1;
	_ =	strace $0x80000049;
	[dreg:$0x1] =	wrdreg $0xFFFFFFFF  }
0xa7: {  	s28 =	simm.s32 $_size_execute0_lowered;
	s3 =	sadd.s32 s3, s5;
	[dreg:$0x0] =	wrdreg $0x0  }
0xa8: {  	s5 =	sshll.u32 s28, $0x1;
	[dreg:$0x2] =	wrdreg s3  }
0xa9: {  	[dreg:$0x3] =	wrdreg s5  }
0xaa: {  	[dreg:$0x4] =	wrdreg $0xC0  }
0xab: {  	_ =	task [dreg:s7], $0x5FFFF  }
0xac: {  	[dreg:$0x1] =	wrdreg $0xFFFFFFFF  }
0xad: {  	[dreg:$0x0] =	wrdreg $0x60  }
0xae: {  	[dreg:$0x2] =	wrdreg s24  }
0xaf: {  	[dreg:$0x3] =	wrdreg s2  }
0xb0: {  	[dreg:$0x4] =	wrdreg $0x1EF00  }
0xb1: {  	[dreg:$0x5] =	wrdreg $0x9  }
0xb2: {  	_ =	task.clear_ibuf [dreg:s7], $0x6FFFF;
	_ =	strace $0x90000049  }
0xb3: {  	s29 =	simm.s32 $0x9;
	_ =	strace $0x8000004B  }
0xb4: {  	_ =	swait.ge [sflag:s29], $0x1  }
0xb5: {  	[sflag:s29] =	ssyncadd.s32 $0xFFFFFFFF  }
0xb6: {  	_ =	strace $0x9000004B  }
0xb7: {  	_ =	sfence  }
0xb8: {  	s30 =	sld [smem:$0x0];
	_ =	sdelay $0x2  }
0xb9: {  	s31 =	sshll.u32 s1, $0xD;
	s1 =	sshrl.u32 s1, $0x2  }
0xba: {  	s3 =	sand.u32 $0x4000, s31;
	s1 =	sadd.s32 s1, s30  }
0xbb: {  	s0 =	sor.u32 s3, s0;
	s1 =	sshll.u32 s1, $0x11  }
0xbc: {  	s0 =	sor.u32 s1, s0  }
0xbd: {  	s0 =	sadd.s32 $0x8F2B, s0  }
0xbe: {  	[sflag:s0] =	ssyncadd.remote.s32 $0x1  }
0xbf: {  	_ =	sfence.sel $0xFFFF  }
0xc0: {  	[dreg:$0x0] =	wrdreg $0xFFFFFFFF;
	(pc) =	sbr.abs _section_cstart, $3  }
0xc1: {  	[dreg:$0x1] =	wrdreg $0xFFFFFFFF  }
0xc2: {  	_ =	task.clear_ibuf [dreg:s7], $0x2FFFF;
	_ =	strace $0x9FFFFFFF  }
0xc3: {  	(tm) =	ssettm $0x7FFFFFFF  }
tec
execute0_lowered:
.L_overlay_start_1:
0x0: {  	(tag) =	ssettag $0x1  }
0x1: {  	s8 =	rddreg [dreg:$0x0]  }
0x2: {  	s1 =	rddreg [dreg:$0x1]  }
0x3: {  	s2 =	rddreg [dreg:$0x2]  }
0x4: {  	s0 =	rddreg [dreg:$0x3];
	s3 =	simm.s32 $0x0  }
0x5: {  	s7 =	srdreg.scid;
	s4 =	stileid.u32;
	s17 =	simm.s32 $0xA0  }
0x6: {  	s18 =	simm.s32 $0xF0;
	s19 =	simm.s32 $0x1;
	[smem:$0x7FF] =	sst s3  }
0x7: {  	s5 =	sadd.s32 $0x14400, s8;
	s6 =	sadd.s32 $0xA600, s8;
	s9 =	smul.u32 $0x6400, s4  }
0x8: {  	s10 =	sand.u32 $0x1, s7;
	s11 =	sor.u32 $0x10, s4;
	s28 =	smul.u32 $0x190, s4  }
0x9: {  	s7 =	sadd.s32 $0x800, s8;
	s14 =	sadd.s32 $0x19400, s8;
	s13 =	smul.u32 $0x6400, s11  }
0xa: {  	p0 =	sgt.u32 s4, $0x8;
	_ =	strace $0x8000004A;
	s15 =	smul.u32 $0x2710, s10  }
0xb: {  	s12 =	ssub.s32 $0x2, s10;
	s11 =	smul.u32 $0x190, s11;
	s10 =	sshll.u32 s10, $0x4  }
0xc: {  	s25 =	sshrl.u32 s12, $0x1;
	s26 =	sshrl.u32 s9, $0x2;
	s10 =	sor.u32 s4, s10  }
0xd: {  	s16 =	ssub.s32 s12, s25;
	s8 =	sadd.s32 s26, s2;
	s29 =	sshrl.u32 s13, $0x2  }
0xe: {  	s12 =	sadd.s32 s28, s15;
	s30 =	sadd.s32 s15, s11;
	s10 =	smul.u32 $0x2710, s10  }
0xf: {  	s15 =	simm.s32 $0x2;
	s9 =	sadd.s32 s29, s2;
	s12 =	sshll.u32 s12, $0x1  }
0x10: {  	s31 =	sshll.u32 s30, $0x1;
	s13 =	smax.u32 s16, $0x1;
	s16 =	simm.s32 $0x50  }
0x11: {  	v0 =	vimm.f32 $0.0e+00;
	s11 =	sadd.s32 s14, s12;
	s12 =	sadd.s32 s14, s31;
	s14 =	simm.s32 $0x5F0  }
.LBB2_1:
0x12: {  	s20 =	simm.s32 $0x40;
	s21 =	simm.s32 $0x0  }
.LBB2_2:
0x13: {  	p1 =	sne.s32 s20, $0x63C0;
	[tilespmem:s21+$0x5F0] =	vst v0;
	s21 =	smov.u32 s20;
	s20 =	sadd.s32 $0x40, s20  }
.Ltmp0:
0x14: {  	(pc) =	sbr.rel @p1 .LBB2_2-.Ltmp0, $2  }
0x15: {  	_ =	sdelay $0x2  }
0x16: {  	s21 =	sshra.s32 s21, $0x2  }
0x17: {  	[tilespmem:s21+$0x5F0] =	vst v0  }
0x18: {  	[spmem:s8] =	stream.linear.scatter [tilespmem:s14], [sflag:$0x2], $0x1900, $0x38;
	[tilespmem:$0x4600] =	vst v63  }
0x19: {  	_ =	swait.ge [sflag:s15], $0x1900  }
0x1a: {  	[sflag:s15] =	ssyncset.done $0x0  }
0x1b: {  	s20 =	simm.s32 @!p0 $0x5F0;
	[sflag:s15] =	ssyncadd.s32 $0xFFFFE700  }
0x1c: {  	[spmem:s9] =	stream.linear.scatter @!p0 [tilespmem:s20], [sflag:$0x2], $0x1900, $0x38;
	[tilespmem:$0x4600] =	vst v63  }
0x1d: {  	s20 =	simm.s32 @!p0 $0x2  }
0x1e: {  	_ =	swait.ge @!p0 [sflag:s20], $0x1900  }
0x1f: {  	[sflag:s20] =	ssyncset.done @!p0 $0x0  }
0x20: {  	[sflag:s20] =	ssyncadd.s32 @!p0 $0xFFFFE700  }
0x21: {  	s21 =	simm.s32 $0x0;
	s20 =	simm.s32 $0x0;
	[bflag:$0x0] =	sbarrier.arrive $0xFFFF  }
.LBB2_4:
0x22: {  	s22 =	smul.u32 $0x50, s21;
	_ =	sdelay $0x1  }
0x23: {  	s22 =	sadd.s32 s10, s22  }
0x24: {  	s22 =	sshrl.u32 s22, $0x3  }
0x25: {  	s23 =	sadd.s32 s6, s22  }
0x26: {  	[tilespmem:s20], [sflag:$0x2] =	stream.linear.gather [hbm4b:s23+s20], $0x50, $0x38;
	[tilespmem:$0x4600] =	vst v63  }
0x27: {  	_ =	swait.ge [sflag:s15], $0x50  }
0x28: {  	[sflag:s15] =	ssyncset.done $0x0  }
0x29: {  	s31 =	sadd.s32 s7, s22;
	[sflag:s15] =	ssyncadd.s32 $0xFFFFFFB0  }
0x2a: {  	[tilespmem:s16], [sflag:$0x2] =	stream.linear.gather [hbm4b:s31+s20], $0x50, $0x38;
	[tilespmem:$0x4600] =	vst v63  }
0x2b: {  	_ =	swait.ge [sflag:s15], $0x50  }
0x2c: {  	[sflag:s15] =	ssyncset.done $0x0  }
0x2d: {  	s22 =	sadd.s32 s1, s22;
	[sflag:s15] =	ssyncadd.s32 $0xFFFFFFB0  }
0x2e: {  	[tilespmem:s17], [sflag:$0x2] =	stream.linear.gather [hbm4b:s22+s20], $0x50, $0x38;
	[tilespmem:$0x4600] =	vst v63  }
0x2f: {  	_ =	swait.ge [sflag:s15], $0x50  }
0x30: {  	[sflag:s15] =	ssyncset.done $0x0  }
0x31: {  	[sflag:s15] =	ssyncadd.s32 $0xFFFFFFB0  }
0x32: {  	[tilespmem:s18], [sflag:$0x1] =	stream.indirect.gather [hbm4b:s5+s16], $0x10, s20, s16, $0xb8;
	[tilespmem:$0x4600] =	vst v63  }
0x33: {  	_ =	swait.ge [sflag:s19], $0x500  }
0x34: {  	[sflag:s19] =	ssyncset.done $0x0  }
0x35: {  	s22 =	simm.s32 $0x170;
	[sflag:s19] =	ssyncadd.s32 $0xFFFFFB00  }
0x36: {  	s25 =	simm.s32 $0x0;
	s24 =	simm.s32 $0x40;
	s23 =	simm.s32 $0x170;
	v1 =	vld [tilespmem:s22+$0xFFFFFFB0]  }
.LBB2_5:
0x37: {  	p1 =	sne.s32 s24, $0x100;
	v2 =	vld [tilespmem:s25+$0xA0]  }
0x38: {  	v3 =	vld [tilespmem:s22+$0xFFFFFF90]  }
0x39: {  	v4 =	vld [tilespmem:s22+$0xFFFFFF80]  }
0x3a: {  	v5 =	vld [tilespmem:s22+$0xFFFFFFA0]  }
0x3b: {  	v6 =	vld [tilespmem:s22+$0xFFFFFFF0]  }
0x3c: {  	v7 =	vbroadcast v2, $0x0;
	v8 =	vbroadcast v2, $0x1;
	v9 =	vld [tilespmem:s22+$0xFFFFFFD0]  }
0x3d: {  	v10 =	vbroadcast v2, $0x2;
	v11 =	vbroadcast v2, $0x3;
	v12 =	vld [tilespmem:s22+$0xFFFFFFC0]  }
0x3e: {  	v4 =	vmul.f32 v7, v4;
	v3 =	vmul.f32 v3, v8;
	v7 =	vld [tilespmem:s22+$0xFFFFFFE0]  }
0x3f: {  	v1 =	vmul.f32 v1, v11;
	v5 =	vmul.f32 v5, v10;
	v8 =	vld [tilespmem:s22+$0x30]  }
0x40: {  	v10 =	vbroadcast v2, $0x5;
	[tilespmem:s22+$0xFFFFFF80] =	vst v4;
	v4 =	vbroadcast v2, $0x4;
	v11 =	vld [tilespmem:s22+$0x10]  }
0x41: {  	v13 =	vbroadcast v2, $0x7;
	[tilespmem:s22+$0xFFFFFF90] =	vst v3;
	v3 =	vbroadcast v2, $0x6;
	v14 =	vld [tilespmem:s22+$0x0]  }
0x42: {  	[tilespmem:s22+$0xFFFFFFA0] =	vst v5;
	v4 =	vmul.f32 v12, v4;
	v5 =	vmul.f32 v9, v10;
	v9 =	vld [tilespmem:s22+$0x20]  }
0x43: {  	[tilespmem:s22+$0xFFFFFFB0] =	vst v1;
	v1 =	vmul.f32 v7, v3;
	v3 =	vmul.f32 v6, v13;
	v6 =	vld [tilespmem:s22+$0x70]  }
0x44: {  	v7 =	vbroadcast v2, $0x9;
	[tilespmem:s22+$0xFFFFFFC0] =	vst v4;
	v4 =	vbroadcast v2, $0x8;
	v10 =	vld [tilespmem:s22+$0x50]  }
0x45: {  	v12 =	vbroadcast v2, $0xB;
	[tilespmem:s22+$0xFFFFFFD0] =	vst v5;
	v5 =	vbroadcast v2, $0xA;
	v13 =	vld [tilespmem:s22+$0x40]  }
0x46: {  	[tilespmem:s22+$0xFFFFFFE0] =	vst v1;
	v1 =	vmul.f32 v14, v4;
	v4 =	vmul.f32 v11, v7;
	v7 =	vld [tilespmem:s22+$0x60]  }
0x47: {  	[tilespmem:s22+$0xFFFFFFF0] =	vst v3;
	v3 =	vmul.f32 v9, v5;
	v5 =	vmul.f32 v8, v12  }
0x48: {  	v8 =	vbroadcast v2, $0xD;
	[tilespmem:s22+$0x0] =	vst v1;
	v1 =	vbroadcast v2, $0xC  }
0x49: {  	[tilespmem:s22+$0x10] =	vst v4;
	v4 =	vbroadcast v2, $0xE;
	v2 =	vbroadcast v2, $0xF  }
0x4a: {  	[tilespmem:s22+$0x20] =	vst v3;
	v1 =	vmul.f32 v13, v1;
	v3 =	vmul.f32 v10, v8  }
.Ltmp1:
0x4b: {  	[tilespmem:s22+$0x30] =	vst v5;
	v4 =	vmul.f32 v7, v4;
	v2 =	vmul.f32 v6, v2;
	(pc) =	sbr.rel @p1 .LBB2_5-.Ltmp1, $4  }
0x4c: {  	[tilespmem:s22+$0x40] =	vst v1  }
0x4d: {  	[tilespmem:s22+$0x50] =	vst v3  }
0x4e: {  	s22 =	sadd.s32 $0x100, s22;
	[tilespmem:s23+$0x60] =	vst v4  }
0x4f: {  	s25 =	sshra.s32 s24, $0x2;
	s24 =	sadd.s32 $0x40, s24;
	v1 =	vld [tilespmem:s22+$0xFFFFFFB0];
	[tilespmem:s23+$0x70] =	vst v2;
	s23 =	smov.u32 s22  }
0x50: {  	v2 =	vld [tilespmem:s25+$0xA0];
	_ =	sdelay $0x1  }
0x51: {  	v3 =	vld [tilespmem:s22+$0xFFFFFF80]  }
0x52: {  	v4 =	vld [tilespmem:s22+$0xFFFFFF90]  }
0x53: {  	v5 =	vld [tilespmem:s22+$0xFFFFFFA0]  }
0x54: {  	v6 =	vbroadcast v2, $0x0  }
0x55: {  	v9 =	vld [tilespmem:s22+$0xFFFFFFD0];
	v7 =	vbroadcast v2, $0x1  }
0x56: {  	v8 =	vld [tilespmem:s22+$0xFFFFFFC0];
	v10 =	vbroadcast v2, $0x2;
	v3 =	vmul.f32 v6, v3  }
0x57: {  	v48 =	vld [tilespmem:s22+$0xFFFFFFE0];
	v47 =	vbroadcast v2, $0x3;
	v4 =	vmul.f32 v4, v7  }
0x58: {  	v51 =	vld [tilespmem:s22+$0x10];
	v49 =	vbroadcast v2, $0x5;
	v5 =	vmul.f32 v5, v10;
	[tilespmem:s22+$0xFFFFFF80] =	vst v3  }
0x59: {  	v11 =	vld [tilespmem:s22+$0xFFFFFFF0];
	v1 =	vmul.f32 v1, v47;
	v3 =	vbroadcast v2, $0x4;
	[tilespmem:s22+$0xFFFFFF90] =	vst v4  }
0x5a: {  	v50 =	vld [tilespmem:s22+$0x0];
	v12 =	vbroadcast v2, $0x6;
	v6 =	vmul.f32 v9, v49;
	[tilespmem:s22+$0xFFFFFFA0] =	vst v5  }
0x5b: {  	v56 =	vld [tilespmem:s22+$0x50];
	v54 =	vbroadcast v2, $0x9;
	[tilespmem:s22+$0xFFFFFFB0] =	vst v1;
	v3 =	vmul.f32 v8, v3  }
0x5c: {  	v53 =	vld [tilespmem:s22+$0x20];
	v52 =	vbroadcast v2, $0x7;
	v7 =	vmul.f32 v48, v12;
	[tilespmem:s22+$0xFFFFFFD0] =	vst v6  }
0x5d: {  	v59 =	vmul.f32 v51, v54;
	v1 =	vld [tilespmem:s22+$0x30];
	[tilespmem:s22+$0xFFFFFFC0] =	vst v3;
	v3 =	vbroadcast v2, $0x8  }
0x5e: {  	v55 =	vld [tilespmem:s22+$0x40];
	v62 =	vbroadcast v2, $0xD;
	v5 =	vmul.f32 v11, v52;
	[tilespmem:s22+$0xFFFFFFE0] =	vst v7  }
0x5f: {  	v60 =	vld [tilespmem:s22+$0x60];
	v57 =	vbroadcast v2, $0xA;
	[tilespmem:s22+$0x10] =	vst v59;
	v3 =	vmul.f32 v50, v3  }
0x60: {  	v61 =	vld [tilespmem:s22+$0x70];
	v58 =	vbroadcast v2, $0xB;
	v4 =	vmul.f32 v56, v62;
	[tilespmem:s22+$0xFFFFFFF0] =	vst v5  }
0x61: {  	v8 =	vmul.f32 v53, v57;
	[tilespmem:s22+$0x0] =	vst v3;
	v3 =	vbroadcast v2, $0xC  }
0x62: {  	v63 =	vbroadcast v2, $0xE;
	[tilespmem:s22+$0x50] =	vst v4;
	v1 =	vmul.f32 v1, v58  }
0x63: {  	[tilespmem:s22+$0x20] =	vst v8;
	v2 =	vbroadcast v2, $0xF;
	v3 =	vmul.f32 v55, v3  }
0x64: {  	[tilespmem:s22+$0x30] =	vst v1;
	v1 =	vmul.f32 v60, v63  }
0x65: {  	s21 =	sadd.s32 $0x1, s21;
	v2 =	vmul.f32 v61, v2;
	[tilespmem:s22+$0x40] =	vst v3  }
0x66: {  	p1 =	sne.s32 s21, $0x7D;
	[tilespmem:s23+$0x60] =	vst v1  }
.Ltmp2:
0x67: {  	[tilespmem:s23+$0x70] =	vst v2;
	(pc) =	sbr.rel @p1 .LBB2_4-.Ltmp2, $4  }
0x68: {  	[spmem:s2] =	stream.indirect.scatter.add.f32 [tilespmem:s18], [sflag:$0x2], $0x10, s16, s16, $0xb8;
	[tilespmem:$0x4600] =	vst v63  }
0x69: {  	_ =	swait.ge [sflag:s15], $0x500  }
0x6a: {  	[sflag:s15] =	ssyncset.done $0x0  }
0x6b: {  	[sflag:s15] =	ssyncadd.s32 $0xFFFFFB00  }
0x6c: {  	s20 =	sshll.u32 s4, $0x6  }
0x6d: {  	[bflag:$0x0] =	sbarrier.arrive $0xFFFF;
	s21 =	sshrl.u32 s8, $0x3;
	s20 =	sor.u32 $0x1C02, s20  }
0x6e: {  	[hbm:s11], [sflag:s20] =	dma.local [spmem:s21], $0x320  }
0x6f: {  	_ =	swait.ge [sflag:s15], $0x320  }
0x70: {  	s3 =	sadd.s32 $0x1, s3;
	[sflag:s15] =	ssyncset.done $0x0  }
0x71: {  	p1 =	sne.s32 s3, s13;
	s21 =	sshrl.u32 @!p0 s9, $0x3;
	[sflag:s15] =	ssyncadd.s32 $0xFFFFFCE0  }
0x72: {  	[hbm:s12], [sflag:s20] =	dma.local @!p0 [spmem:s21], $0x320  }
.Ltmp3:
0x73: {  	_ = 	snop;
	(pc) =	sbr.rel @p1 .LBB2_1-.Ltmp3, $4  }
0x74: {  	s20 =	simm.s32 @!p0 $0x2  }
0x75: {  	_ =	swait.ge @!p0 [sflag:s20], $0x320  }
0x76: {  	[sflag:s20] =	ssyncset.done @!p0 $0x0  }
0x77: {  	[sflag:s20] =	ssyncadd.s32 @!p0 $0xFFFFFCE0  }
0x78: {  	_ =	sfence.sel $0x180000  }
0x79: {  	[bflag:$0x0] =	sbarrier.arrive $0xFFFF  }
0x7a: {  	p0 =	sne.s32 s4, $0x0;
	_ =	strace $0x9000004A  }
0x7b: {  	s0 =	sadd.s32 @!p0 $0x100000, s0;
	[bflag:$0x2] =	sbarrier.arrive $0xFFFF  }
0x7c: {  	[sflag:s0] =	ssyncadd.tile.s32 @!p0 $0x1;
	_ =	shalt  }
.Lfunc_end2:
_tile_overlayer_lowered:
.L_overlay_start_2:
0x7d: {  	(tag) =	ssettag $0x2  }
0x7e: {  	s0 =	rddreg [dreg:$0x0];
	s2 =	stileid.u32  }
0x7f: {  	s1 =	rddreg [dreg:$0x1];
	p0 =	sne.s32 s2, $0x0  }
0x80: {  	s3 =	rddreg [dreg:$0x2];
	[bflag:$0x3] =	sbarrier.arrive $0xFFFF;
	s2 =	simm.s32 @!p0 $0x1C02  }
0x81: {  	[timem:s3], [sflag:s2] =	dma.local @!p0 [hbm:s0], s1  }
0x82: {  	s0 =	simm.s32 @!p0 $0x2  }
0x83: {  	_ =	swait.ge @!p0 [sflag:s0], s1  }
0x84: {  	s1 =	ssub.s32 @!p0 $0x0, s1;
	[sflag:s0] =	ssyncset.done @!p0 $0x0  }
0x85: {  	[sflag:s0] =	ssyncadd.s32 @!p0 s1  }
0x86: {  	[bflag:$0x3] =	sbarrier.arrive $0xFFFF  }
0x87: {  	_ =	shalt  }

// kernel: kernel.7.cloned.1.call-start
scs
__scs_entry_jumppad:
0x0: {  	(pc) =	sbr.rel $0x88, $3  }
0x1: {  	(tag) =	ssettag $0x0;
	lr =	simm.s32 $0x1  }
0x2: {  	[smem:$0x3F99] =	sst lr;
	_ =	strace $0xD0000000  }
0x3: {  	_ = 	snop  }
0x4: {  	_ = 	snop  }
0x5: {  	_ = 	snop  }
0x6: {  	_ = 	snop  }
0x7: {  	_ = 	snop  }
__scs_overlays_trampoline_lowered:
0x8: {  	[smem:$0x3FA8] =	sst s0  }
0x9: {  	[smem:$0x3FA9] =	sst s1  }
0xa: {  	[smem:$0x3FAA] =	sst s2  }
0xb: {  	[smem:$0x3FAB] =	sst s3  }
0xc: {  	[smem:$0x3FAC] =	sst s4  }
0xd: {  	[smem:$0x3FAD] =	sst s5  }
0xe: {  	[smem:$0x3FAE] =	sst s6  }
0xf: {  	[smem:$0x3FAF] =	sst s7  }
0x10: {  	[smem:$0x3FB0] =	sst s8  }
0x11: {  	[smem:$0x3FB1] =	sst s9;
	s0 =	simm.s32 @!p0 $0x0  }
0x12: {  	s1 =	sld [smem:$0x3F97];
	s0 =	simm.s32 @p0 $0x1  }
0x13: {  	[smem:$0x3FB2] =	sst s0;
	s0 =	simm.s32 @!p1 $0x0  }
0x14: {  	s2 =	sld [smem:$0x3F96];
	s0 =	simm.s32 @p1 $0x1  }
0x15: {  	[smem:$0x3FB3] =	sst s0;
	s0 =	simm.s32 @!p2 $0x0  }
0x16: {  	s3 =	sld [smem:$0x3FDB];
	s0 =	simm.s32 @p2 $0x1  }
0x17: {  	s4 =	simm.s32 $0x1BF5;
	[smem:$0x3FB5] =	sst s0  }
0x18: {  	s0 =	sld [smem:$0x3F98];
	_ =	swait.ge [sflag:s4], $0x0  }
0x19: {  	s7 =	sld [smem:$0x3F99]  }
0x1a: {  	s8 =	sadd.s32 $0xFFFFE003, lr  }
0x1b: {  	s9 =	sadd.s32 $0xFFFFFEF7, lr;
	s5 =	simm.s32 $0xFFFFFFFF;
	p2 =	slt.u32 s8, $0xFFFFF086  }
0x1c: {  	p1 =	slt.u32 s9, $0xF7A;
	s5 =	simm.s32 @!p2 $0x0  }
0x1d: {  	s5 =	simm.s32 @p1 $0x1;
	p0 =	seq.s32 s7, s2  }
0x1e: {  	s7 =	smul.u32 @!p0 $0xF7A, s2;
	p2 =	seq.s32 @!p0 s5, $0x0  }
0x1f: {  	s9 =	smul.u32 $0xF7A, s1;
	s8 =	simm.s32 @!p0 $0x1BF5;
	p2 =	por !p2, p0  }
0x20: {  	[sflag:s8] =	ssyncset.s32 @!p0 $0xFFFFF086;
	s6 =	sadd.s32 @!p0 s3, s7;
	s7 =	simm.s32 @!p0 $0x108  }
0x21: {  	s3 =	sadd.s32 s3, s9;
	s6 =	sadd.s32 @!p0 $0x88, s6;
	s7 =	simm.s32 @p2 $0x1082  }
0x22: {  	[simem:s7], [sflag:s8] =	dma.local @!p0 [hbm:s6], $0xF7A  }
0x23: {  	s9 =	sor.u32 $0xD0000000, s2;
	s6 =	simm.s32 $0x108;
	_ =	swait.ge @!p0 [sflag:s8], $0x0  }
0x24: {  	s3 =	sadd.s32 $0x88, s3;
	s6 =	simm.s32 @!p1 $0x1082;
	[sflag:s4] =	ssyncset.s32 $0xFFFFF086  }
0x25: {  	[simem:s6], [sflag:s4] =	dma.local [hbm:s3], $0xF7A  }
0x26: {  	[smem:$0x3F99] =	sst s1;
	(tag) =	ssettag s2;
	_ =	strace s9  }
0x27: {  	s1 =	sld [smem:$0x3FA9]  }
0x28: {  	s2 =	sld [smem:$0x3FAA]  }
0x29: {  	s4 =	sld [smem:$0x3FAC]  }
0x2a: {  	p0 =	seq.s32 s5, $0x0;
	s5 =	sld [smem:$0x3FAD]  }
0x2b: {  	s6 =	sld [smem:$0x3FAE]  }
0x2c: {  	s7 =	sld [smem:$0x3FAF]  }
0x2d: {  	s3 =	simm.s32 $0x108;
	s8 =	sld [smem:$0x3FB0]  }
0x2e: {  	s3 =	simm.s32 @!p0 $0x1082;
	s9 =	sld [smem:$0x3FB1]  }
0x2f: {  	lr =	sadd.s32 s0, s3;
	s0 =	sld [smem:$0x3FA8]  }
0x30: {  	s3 =	sld [smem:$0x3FAB]  }
0x31: {  	[smem:$0x3FB4] =	sst s10  }
0x32: {  	s10 =	sld [smem:$0x3FB2];
	_ =	sdelay $0x3  }
0x33: {  	p0 =	seq.s32 s10, $0x1;
	s10 =	sld [smem:$0x3FB4];
	_ =	sdelay $0x3  }
0x34: {  	[smem:$0x3FB4] =	sst s10  }
0x35: {  	s10 =	sld [smem:$0x3FB3];
	_ =	sdelay $0x3  }
0x36: {  	p1 =	seq.s32 s10, $0x1;
	s10 =	sld [smem:$0x3FB4];
	_ =	sdelay $0x3  }
0x37: {  	[smem:$0x3FB4] =	sst s10  }
0x38: {  	s10 =	sld [smem:$0x3FB5]  }
0x39: {  	_ = 	snop;
	(pc) =	sbr.ind lr, $3  }
0x3a: {  	_ = 	snop  }
0x3b: {  	_ = 	snop  }
0x3c: {  	p2 =	seq.s32 s10, $0x1;
	s10 =	sld [smem:$0x3FB4]  }
0x3d: {  	_ =	shalt  }
0x3e: {  	_ =	shalt  }
0x3f: {  	_ =	shalt  }
0x40: {  	_ =	shalt  }
0x41: {  	_ =	shalt  }
0x42: {  	_ =	shalt  }
0x43: {  	_ =	shalt  }
0x44: {  	_ =	shalt  }
0x45: {  	_ =	shalt  }
0x46: {  	_ =	shalt  }
0x47: {  	_ =	shalt  }
0x48: {  	_ =	shalt  }
0x49: {  	_ =	shalt  }
0x4a: {  	_ =	shalt  }
0x4b: {  	_ =	shalt  }
0x4c: {  	_ =	shalt  }
0x4d: {  	_ =	shalt  }
0x4e: {  	_ =	shalt  }
0x4f: {  	_ =	shalt  }
0x50: {  	_ =	shalt  }
0x51: {  	_ =	shalt  }
0x52: {  	_ =	shalt  }
0x53: {  	_ =	shalt  }
0x54: {  	_ =	shalt  }
0x55: {  	_ =	shalt  }
0x56: {  	_ =	shalt  }
0x57: {  	_ =	shalt  }
0x58: {  	_ =	shalt  }
0x59: {  	_ =	shalt  }
0x5a: {  	_ =	shalt  }
0x5b: {  	_ =	shalt  }
0x5c: {  	_ =	shalt  }
0x5d: {  	_ =	shalt  }
0x5e: {  	_ =	shalt  }
0x5f: {  	_ =	shalt  }
0x60: {  	_ =	shalt  }
0x61: {  	_ =	shalt  }
0x62: {  	_ =	shalt  }
0x63: {  	_ =	shalt  }
0x64: {  	_ =	shalt  }
0x65: {  	_ =	shalt  }
0x66: {  	_ =	shalt  }
0x67: {  	_ =	shalt  }
0x68: {  	_ =	shalt  }
0x69: {  	_ =	shalt  }
0x6a: {  	_ =	shalt  }
0x6b: {  	_ =	shalt  }
0x6c: {  	_ =	shalt  }
0x6d: {  	_ =	shalt  }
0x6e: {  	_ =	shalt  }
0x6f: {  	_ =	shalt  }
0x70: {  	_ =	shalt  }
0x71: {  	_ =	shalt  }
0x72: {  	_ =	shalt  }
0x73: {  	_ =	shalt  }
0x74: {  	_ =	shalt  }
0x75: {  	_ =	shalt  }
0x76: {  	_ =	shalt  }
0x77: {  	_ =	shalt  }
0x78: {  	_ =	shalt  }
0x79: {  	_ =	shalt  }
0x7a: {  	_ =	shalt  }
0x7b: {  	_ =	shalt  }
0x7c: {  	_ =	shalt  }
0x7d: {  	_ =	shalt  }
0x7e: {  	_ =	shalt  }
0x7f: {  	_ =	shalt  }
0x80: {  	_ =	shalt  }
0x81: {  	_ =	shalt  }
0x82: {  	_ =	shalt  }
0x83: {  	_ =	shalt  }
0x84: {  	_ =	shalt  }
0x85: {  	_ =	shalt  }
0x86: {  	_ =	shalt  }
0x87: {  	_ =	shalt  }
.Lfunc_end0:
.L_simem_size_0:
called_computation_lowered:
.L_overlay_start_0:
0x88: {  	s2 =	sld [smem:$0x3FD9]  }
0x89: {  	s3 =	sld [smem:$0x3FFE];
	_ =	sdelay $0x1  }
0x8a: {  	s1 =	srdreg.scid  }
0x8b: {  	s0 =	sand.u32 $0x1, s1  }
0x8c: {  	s17 =	sshll.u32 s0, $0xA;
	s2 =	sadd.s32 s3, s2  }
0x8d: {  	s2 =	sadd.s32 s2, s17  }
0x8e: {  	[smem:$0x3FC0] =	sst s2  }
0x8f: {  	_ = 	snop  }
0x90: {  	s2 =	sld [smem:$0x3FC7];
	(tm) =	ssettm $0x1  }
0x91: {  	s18 =	sld [smem:$0x3FFB];
	_ =	sdelay $0x3  }
0x92: {  	_ =	strace s18  }
0x93: {  	s3 =	sld [smem:$0x3FFC];
	_ =	sdelay $0x3  }
0x94: {  	_ =	strace s3  }
0x95: {  	s3 =	sld [smem:$0x3FFD];
	_ =	sdelay $0x3  }
0x96: {  	_ =	strace s3  }
0x97: {  	_ =	strace $0x8FFFFFFF  }
0x98: {  	s19 =	sld [smem:$0x3FDB];
	_ =	sdelay $0x1  }
0x99: {  	s4 =	simm.s32 $_scs_section_size  }
0x9a: {  	s5 =	simm.s32 $_size__tile_overlayer_lowered;
	s6 =	simm.s32 $_tile_overlayer_lowered  }
0x9b: {  	s22 =	simm.s32 $0x1BFF;
	s21 =	sshll.u32 s6, $0x1;
	s3 =	sadd.s32 s4, s19  }
0x9c: {  	s7 =	simm.s32 $0x0;
	s20 =	sshll.u32 s5, $0x1;
	s5 =	sadd.s32 s21, s3  }
0x9d: {  	[timem:s7], [sflag:s22] =	dma.local [hbm:s5], s20  }
0x9e: {  	_ =	swait.ge [sflag:s22], s20  }
0x9f: {  	s4 =	ssub.s32 $0x0, s20;
	[sflag:s22] =	ssyncset.done $0x0  }
0xa0: {  	[sflag:s22] =	ssyncadd.s32 s4;
	_ =	sdelay $0x1  }
0xa1: {  	s23 =	simm.s32 $0x1B8B  }
0xa2: {  	_ =	swait.ge [sflag:s23], $0x1  }
0xa3: {  	[sflag:s23] =	ssyncset.done $0x0  }
0xa4: {  	s25 =	simm.s32 $0x1B8E;
	s24 =	sld [smem:$0x3FFE];
	[sflag:s23] =	ssyncadd.s32 $0xFFFFFFFF  }
0xa5: {  	s26 =	simm.s32 $execute0_lowered;
	[smem:$0x3FD2] =	sst s25  }
0xa6: {  	s5 =	sshll.u32 s26, $0x1;
	_ =	strace $0x80000046;
	[dreg:$0x1] =	wrdreg $0xFFFFFFFF  }
0xa7: {  	s28 =	simm.s32 $_size_execute0_lowered;
	s3 =	sadd.s32 s3, s5;
	[dreg:$0x0] =	wrdreg $0x0  }
0xa8: {  	s5 =	sshll.u32 s28, $0x1;
	[dreg:$0x2] =	wrdreg s3  }
0xa9: {  	[dreg:$0x3] =	wrdreg s5  }
0xaa: {  	[dreg:$0x4] =	wrdreg $0xC0  }
0xab: {  	_ =	task [dreg:s7], $0x5FFFF  }
0xac: {  	[dreg:$0x1] =	wrdreg $0xFFFFFFFF  }
0xad: {  	[dreg:$0x0] =	wrdreg $0x60  }
0xae: {  	[dreg:$0x2] =	wrdreg s24  }
0xaf: {  	[dreg:$0x3] =	wrdreg s2  }
0xb0: {  	[dreg:$0x4] =	wrdreg $0x78F00  }
0xb1: {  	[dreg:$0x5] =	wrdreg $0x9  }
0xb2: {  	_ =	task.clear_ibuf [dreg:s7], $0x6FFFF;
	_ =	strace $0x90000046  }
0xb3: {  	s29 =	simm.s32 $0x9;
	_ =	strace $0x80000048  }
0xb4: {  	_ =	swait.ge [sflag:s29], $0x1  }
0xb5: {  	[sflag:s29] =	ssyncadd.s32 $0xFFFFFFFF  }
0xb6: {  	_ =	strace $0x90000048  }
0xb7: {  	_ =	sfence  }
0xb8: {  	s30 =	sld [smem:$0x0];
	_ =	sdelay $0x2  }
0xb9: {  	s31 =	sshll.u32 s1, $0xD;
	s1 =	sshrl.u32 s1, $0x2  }
0xba: {  	s3 =	sand.u32 $0x4000, s31;
	s1 =	sadd.s32 s1, s30  }
0xbb: {  	s0 =	sor.u32 s3, s0;
	s1 =	sshll.u32 s1, $0x11  }
0xbc: {  	s0 =	sor.u32 s1, s0  }
0xbd: {  	s0 =	sadd.s32 $0x8F2B, s0  }
0xbe: {  	[sflag:s0] =	ssyncadd.remote.s32 $0x1  }
0xbf: {  	_ =	sfence.sel $0xFFFF  }
0xc0: {  	[dreg:$0x0] =	wrdreg $0xFFFFFFFF;
	(pc) =	sbr.abs _section_cstart, $3  }
0xc1: {  	[dreg:$0x1] =	wrdreg $0xFFFFFFFF  }
0xc2: {  	_ =	task.clear_ibuf [dreg:s7], $0x2FFFF;
	_ =	strace $0x9FFFFFFF  }
0xc3: {  	(tm) =	ssettm $0x7FFFFFFF  }
tec
execute0_lowered:
.L_overlay_start_1:
0x0: {  	(tag) =	ssettag $0x1  }
0x1: {  	s13 =	rddreg [dreg:$0x0]  }
0x2: {  	s1 =	rddreg [dreg:$0x1]  }
0x3: {  	s2 =	rddreg [dreg:$0x2]  }
0x4: {  	s0 =	rddreg [dreg:$0x3];
	s4 =	simm.s32 $0x0;
	s5 =	srdreg.scid  }
0x5: {  	s3 =	stileid.u32;
	s17 =	simm.s32 $0xA0;
	s18 =	simm.s32 $0xF0  }
0x6: {  	s19 =	simm.s32 $0x1;
	[smem:$0x7FF] =	sst s4;
	s7 =	smul.u32 $0x19000, s3  }
0x7: {  	s10 =	sand.u32 $0x1, s5;
	s8 =	sor.u32 $0x10, s3;
	s16 =	smul.u32 $0x190, s3  }
0x8: {  	s5 =	sadd.s32 $0xA600, s13;
	s6 =	sadd.s32 $0x800, s13;
	s11 =	smul.u32 $0x19000, s8  }
0x9: {  	s15 =	sadd.s32 $0x3B800, s13;
	s9 =	ssub.s32 $0x2, s10;
	s14 =	smul.u32 $0x2710, s10  }
0xa: {  	_ =	strace $0x80000047;
	s30 =	smul.u32 $0x190, s8;
	s12 =	sshrl.u32 s9, $0x1  }
0xb: {  	p0 =	seq.s32 s10, $0x1;
	s7 =	sshrl.u32 s7, $0x2;
	s12 =	ssub.s32 s9, s12  }
0xc: {  	s29 =	sshrl.u32 s11, $0x2;
	s7 =	sadd.s32 s7, s2;
	s9 =	smul.u32 $0x4E20, s3  }
0xd: {  	s31 =	sadd.s32 s16, s14;
	s11 =	sadd.s32 s14, s30;
	s14 =	simm.s32 $0x27E00  }
0xe: {  	s16 =	simm.s32 $0x50;
	s8 =	sadd.s32 s29, s2;
	s10 =	sshll.u32 s31, $0x3  }
0xf: {  	s11 =	sshll.u32 s11, $0x3;
	s14 =	simm.s32 @!p0 $0x14400;
	s12 =	smax.u32 s12, $0x1  }
0x10: {  	p0 =	sgt.u32 s3, $0x8;
	s10 =	sadd.s32 s15, s10;
	s11 =	sadd.s32 s15, s11  }
0x11: {  	v0 =	vimm.f32 $0.0e+00;
	s13 =	sadd.s32 s14, s13;
	s14 =	simm.s32 $0x14F0;
	s15 =	simm.s32 $0x2  }
.LBB2_1:
0x12: {  	s21 =	simm.s32 $0x100;
	s20 =	simm.s32 $0x0  }
.LBB2_2:
0x13: {  	p1 =	sne.s32 s21, $0x18F00;
	[tilespmem:s20+$0x1520] =	vst v0;
	s22 =	smov.u32 s21;
	s21 =	sadd.s32 $0x100, s21  }
.Ltmp0:
0x14: {  	[tilespmem:s20+$0x1510] =	vst v0;
	(pc) =	sbr.rel @p1 .LBB2_2-.Ltmp0, $3  }
0x15: {  	[tilespmem:s20+$0x14F0] =	vst v0  }
0x16: {  	[tilespmem:s20+$0x1500] =	vst v0;
	_ =	sdelay $0x1  }
0x17: {  	s20 =	sshra.s32 s22, $0x2  }
0x18: {  	[tilespmem:s20+$0x1520] =	vst v0  }
0x19: {  	[tilespmem:s20+$0x1510] =	vst v0  }
0x1a: {  	[tilespmem:s20+$0x14F0] =	vst v0  }
0x1b: {  	[tilespmem:s20+$0x1500] =	vst v0  }
0x1c: {  	[spmem:s7] =	stream.linear.scatter [tilespmem:s14], [sflag:$0x2], $0x6400, $0x38;
	[tilespmem:$0x11530] =	vst v63  }
0x1d: {  	_ =	swait.ge [sflag:s15], $0x6400  }
0x1e: {  	[sflag:s15] =	ssyncset.done $0x0  }
0x1f: {  	s20 =	simm.s32 @!p0 $0x14F0;
	[sflag:s15] =	ssyncadd.s32 $0xFFFF9C00  }
0x20: {  	[spmem:s8] =	stream.linear.scatter @!p0 [tilespmem:s20], [sflag:$0x2], $0x6400, $0x38;
	[tilespmem:$0x11530] =	vst v63  }
0x21: {  	s20 =	simm.s32 @!p0 $0x2  }
0x22: {  	_ =	swait.ge @!p0 [sflag:s20], $0x6400  }
0x23: {  	[sflag:s20] =	ssyncset.done @!p0 $0x0  }
0x24: {  	[sflag:s20] =	ssyncadd.s32 @!p0 $0xFFFF9C00  }
0x25: {  	s21 =	simm.s32 $0x0;
	s20 =	simm.s32 $0x0;
	[bflag:$0x0] =	sbarrier.arrive $0xFFFF  }
.LBB2_4:
0x26: {  	s22 =	smul.u32 $0x50, s21;
	_ =	sdelay $0x1  }
0x27: {  	s22 =	sadd.s32 s9, s22  }
0x28: {  	s22 =	sshrl.u32 s22, $0x3  }
0x29: {  	s23 =	sadd.s32 s5, s22  }
0x2a: {  	[tilespmem:s20], [sflag:$0x2] =	stream.linear.gather [hbm4b:s23+s20], $0x50, $0x38;
	[tilespmem:$0x11530] =	vst v63  }
0x2b: {  	_ =	swait.ge [sflag:s15], $0x50  }
0x2c: {  	[sflag:s15] =	ssyncset.done $0x0  }
0x2d: {  	s31 =	sadd.s32 s6, s22;
	[sflag:s15] =	ssyncadd.s32 $0xFFFFFFB0  }
0x2e: {  	[tilespmem:s16], [sflag:$0x2] =	stream.linear.gather [hbm4b:s31+s20], $0x50, $0x38;
	[tilespmem:$0x11530] =	vst v63  }
0x2f: {  	_ =	swait.ge [sflag:s15], $0x50  }
0x30: {  	[sflag:s15] =	ssyncset.done $0x0  }
0x31: {  	s22 =	sadd.s32 s1, s22;
	[sflag:s15] =	ssyncadd.s32 $0xFFFFFFB0  }
0x32: {  	[tilespmem:s17], [sflag:$0x2] =	stream.linear.gather [hbm4b:s22+s20], $0x50, $0x38;
	[tilespmem:$0x11530] =	vst v63  }
0x33: {  	_ =	swait.ge [sflag:s15], $0x50  }
0x34: {  	[sflag:s15] =	ssyncset.done $0x0  }
0x35: {  	[sflag:s15] =	ssyncadd.s32 $0xFFFFFFB0  }
0x36: {  	[tilespmem:s18], [sflag:$0x1] =	stream.indirect.gather [hbm4b:s13+s16], $0x40, s20, s16, $0xb8;
	[tilespmem:$0x11530] =	vst v63  }
0x37: {  	_ =	swait.ge [sflag:s19], $0x1400  }
0x38: {  	[sflag:s19] =	ssyncset.done $0x0  }
0x39: {  	s23 =	simm.s32 $0x0;
	s22 =	simm.s32 $0x2F0;
	[sflag:s19] =	ssyncadd.s32 $0xFFFFEC00  }
.LBB2_5:
0x3a: {  	s24 =	sshra.s32 s23, $0x2  }
0x3b: {  	v1 =	vld [tilespmem:s24+$0xA0];
	_ =	sdelay $0x1  }
0x3c: {  	v2 =	vld [tilespmem:s22+$0xFFFFFE00];
	_ =	sdelay $0x2  }
0x3d: {  	v3 =	vbroadcast v1, $0x0;
	_ =	sdelay $0x1  }
0x3e: {  	v2 =	vmul.f32 v3, v2;
	_ =	sdelay $0x1  }
0x3f: {  	[tilespmem:s22+$0xFFFFFE00] =	vst v2;
	v2 =	vld [tilespmem:s22+$0xFFFFFE10];
	_ =	sdelay $0x4  }
0x40: {  	v2 =	vmul.f32 v2, v3;
	_ =	sdelay $0x1  }
0x41: {  	[tilespmem:s22+$0xFFFFFE10] =	vst v2;
	v2 =	vld [tilespmem:s22+$0xFFFFFE20];
	_ =	sdelay $0x4  }
0x42: {  	v2 =	vmul.f32 v2, v3;
	_ =	sdelay $0x1  }
0x43: {  	[tilespmem:s22+$0xFFFFFE20] =	vst v2;
	v2 =	vld [tilespmem:s22+$0xFFFFFE30];
	_ =	sdelay $0x4  }
0x44: {  	v2 =	vmul.f32 v2, v3;
	_ =	sdelay $0x1  }
0x45: {  	[tilespmem:s22+$0xFFFFFE30] =	vst v2;
	v2 =	vld [tilespmem:s22+$0xFFFFFE40];
	_ =	sdelay $0x2  }
0x46: {  	v3 =	vbroadcast v1, $0x1;
	_ =	sdelay $0x1  }
0x47: {  	v2 =	vmul.f32 v2, v3;
	_ =	sdelay $0x1  }
0x48: {  	[tilespmem:s22+$0xFFFFFE40] =	vst v2;
	v2 =	vld [tilespmem:s22+$0xFFFFFE50];
	_ =	sdelay $0x4  }
0x49: {  	v2 =	vmul.f32 v2, v3;
	_ =	sdelay $0x1  }
0x4a: {  	[tilespmem:s22+$0xFFFFFE50] =	vst v2;
	v2 =	vld [tilespmem:s22+$0xFFFFFE60];
	_ =	sdelay $0x4  }
0x4b: {  	v2 =	vmul.f32 v2, v3;
	_ =	sdelay $0x1  }
0x4c: {  	[tilespmem:s22+$0xFFFFFE60] =	vst v2;
	v2 =	vld [tilespmem:s22+$0xFFFFFE70];
	_ =	sdelay $0x4  }
0x4d: {  	v2 =	vmul.f32 v2, v3;
	_ =	sdelay $0x1  }
0x4e: {  	[tilespmem:s22+$0xFFFFFE70] =	vst v2;
	v2 =	vld [tilespmem:s22+$0xFFFFFE80];
	_ =	sdelay $0x2  }
0x4f: {  	v3 =	vbroadcast v1, $0x2;
	_ =	sdelay $0x1  }
0x50: {  	v2 =	vmul.f32 v2, v3;
	_ =	sdelay $0x1  }
0x51: {  	[tilespmem:s22+$0xFFFFFE80] =	vst v2;
	v2 =	vld [tilespmem:s22+$0xFFFFFE90];
	_ =	sdelay $0x4  }
0x52: {  	v2 =	vmul.f32 v2, v3;
	_ =	sdelay $0x1  }
0x53: {  	[tilespmem:s22+$0xFFFFFE90] =	vst v2;
	v2 =	vld [tilespmem:s22+$0xFFFFFEA0];
	_ =	sdelay $0x4  }
0x54: {  	v2 =	vmul.f32 v2, v3;
	_ =	sdelay $0x1  }
0x55: {  	[tilespmem:s22+$0xFFFFFEA0] =	vst v2;
	v2 =	vld [tilespmem:s22+$0xFFFFFEB0];
	_ =	sdelay $0x4  }
0x56: {  	v2 =	vmul.f32 v2, v3;
	_ =	sdelay $0x1  }
0x57: {  	[tilespmem:s22+$0xFFFFFEB0] =	vst v2;
	v2 =	vld [tilespmem:s22+$0xFFFFFEC0];
	_ =	sdelay $0x2  }
0x58: {  	v3 =	vbroadcast v1, $0x3;
	_ =	sdelay $0x1  }
0x59: {  	v2 =	vmul.f32 v2, v3;
	_ =	sdelay $0x1  }
0x5a: {  	[tilespmem:s22+$0xFFFFFEC0] =	vst v2;
	v2 =	vld [tilespmem:s22+$0xFFFFFED0];
	_ =	sdelay $0x4  }
0x5b: {  	v2 =	vmul.f32 v2, v3;
	_ =	sdelay $0x1  }
0x5c: {  	[tilespmem:s22+$0xFFFFFED0] =	vst v2;
	v2 =	vld [tilespmem:s22+$0xFFFFFEE0];
	_ =	sdelay $0x4  }
0x5d: {  	v2 =	vmul.f32 v2, v3;
	_ =	sdelay $0x1  }
0x5e: {  	[tilespmem:s22+$0xFFFFFEE0] =	vst v2;
	v2 =	vld [tilespmem:s22+$0xFFFFFEF0];
	_ =	sdelay $0x4  }
0x5f: {  	v2 =	vmul.f32 v2, v3;
	_ =	sdelay $0x1  }
0x60: {  	[tilespmem:s22+$0xFFFFFEF0] =	vst v2;
	v2 =	vld [tilespmem:s22+$0xFFFFFF00];
	_ =	sdelay $0x2  }
0x61: {  	v3 =	vbroadcast v1, $0x4;
	_ =	sdelay $0x1  }
0x62: {  	v2 =	vmul.f32 v2, v3;
	_ =	sdelay $0x1  }
0x63: {  	[tilespmem:s22+$0xFFFFFF00] =	vst v2;
	v2 =	vld [tilespmem:s22+$0xFFFFFF10];
	_ =	sdelay $0x4  }
0x64: {  	v2 =	vmul.f32 v2, v3;
	_ =	sdelay $0x1  }
0x65: {  	[tilespmem:s22+$0xFFFFFF10] =	vst v2;
	v2 =	vld [tilespmem:s22+$0xFFFFFF20];
	_ =	sdelay $0x4  }
0x66: {  	v2 =	vmul.f32 v2, v3;
	_ =	sdelay $0x1  }
0x67: {  	[tilespmem:s22+$0xFFFFFF20] =	vst v2;
	v2 =	vld [tilespmem:s22+$0xFFFFFF30];
	_ =	sdelay $0x4  }
0x68: {  	v2 =	vmul.f32 v2, v3;
	_ =	sdelay $0x1  }
0x69: {  	[tilespmem:s22+$0xFFFFFF30] =	vst v2;
	v2 =	vld [tilespmem:s22+$0xFFFFFF40];
	_ =	sdelay $0x2  }
0x6a: {  	v3 =	vbroadcast v1, $0x5;
	_ =	sdelay $0x1  }
0x6b: {  	v2 =	vmul.f32 v2, v3;
	_ =	sdelay $0x1  }
0x6c: {  	[tilespmem:s22+$0xFFFFFF40] =	vst v2;
	v2 =	vld [tilespmem:s22+$0xFFFFFF50];
	_ =	sdelay $0x4  }
0x6d: {  	v2 =	vmul.f32 v2, v3;
	_ =	sdelay $0x1  }
0x6e: {  	[tilespmem:s22+$0xFFFFFF50] =	vst v2;
	v2 =	vld [tilespmem:s22+$0xFFFFFF60];
	_ =	sdelay $0x4  }
0x6f: {  	v2 =	vmul.f32 v2, v3;
	_ =	sdelay $0x1  }
0x70: {  	[tilespmem:s22+$0xFFFFFF60] =	vst v2;
	v2 =	vld [tilespmem:s22+$0xFFFFFF70];
	_ =	sdelay $0x4  }
0x71: {  	v2 =	vmul.f32 v2, v3;
	_ =	sdelay $0x1  }
0x72: {  	[tilespmem:s22+$0xFFFFFF70] =	vst v2;
	v2 =	vld [tilespmem:s22+$0xFFFFFF80];
	_ =	sdelay $0x2  }
0x73: {  	v3 =	vbroadcast v1, $0x6;
	_ =	sdelay $0x1  }
0x74: {  	v2 =	vmul.f32 v2, v3;
	_ =	sdelay $0x1  }
0x75: {  	[tilespmem:s22+$0xFFFFFF80] =	vst v2;
	v2 =	vld [tilespmem:s22+$0xFFFFFF90];
	_ =	sdelay $0x4  }
0x76: {  	v2 =	vmul.f32 v2, v3;
	_ =	sdelay $0x1  }
0x77: {  	[tilespmem:s22+$0xFFFFFF90] =	vst v2;
	v2 =	vld [tilespmem:s22+$0xFFFFFFA0];
	_ =	sdelay $0x4  }
0x78: {  	v2 =	vmul.f32 v2, v3;
	_ =	sdelay $0x1  }
0x79: {  	[tilespmem:s22+$0xFFFFFFA0] =	vst v2;
	v2 =	vld [tilespmem:s22+$0xFFFFFFB0];
	_ =	sdelay $0x4  }
0x7a: {  	v2 =	vmul.f32 v2, v3;
	_ =	sdelay $0x1  }
0x7b: {  	[tilespmem:s22+$0xFFFFFFB0] =	vst v2;
	v2 =	vld [tilespmem:s22+$0xFFFFFFC0];
	_ =	sdelay $0x2  }
0x7c: {  	v3 =	vbroadcast v1, $0x7;
	_ =	sdelay $0x1  }
0x7d: {  	v2 =	vmul.f32 v2, v3;
	_ =	sdelay $0x1  }
0x7e: {  	[tilespmem:s22+$0xFFFFFFC0] =	vst v2;
	v2 =	vld [tilespmem:s22+$0xFFFFFFD0];
	_ =	sdelay $0x4  }
0x7f: {  	v2 =	vmul.f32 v2, v3;
	_ =	sdelay $0x1  }
0x80: {  	[tilespmem:s22+$0xFFFFFFD0] =	vst v2;
	v2 =	vld [tilespmem:s22+$0xFFFFFFE0];
	_ =	sdelay $0x4  }
0x81: {  	v2 =	vmul.f32 v2, v3;
	_ =	sdelay $0x1  }
0x82: {  	[tilespmem:s22+$0xFFFFFFE0] =	vst v2;
	v2 =	vld [tilespmem:s22+$0xFFFFFFF0];
	_ =	sdelay $0x4  }
0x83: {  	v2 =	vmul.f32 v2, v3;
	_ =	sdelay $0x1  }
0x84: {  	[tilespmem:s22+$0xFFFFFFF0] =	vst v2;
	v2 =	vld [tilespmem:s22+$0x0];
	_ =	sdelay $0x2  }
0x85: {  	v3 =	vbroadcast v1, $0x8;
	_ =	sdelay $0x1  }
0x86: {  	v2 =	vmul.f32 v2, v3;
	_ =	sdelay $0x1  }
0x87: {  	[tilespmem:s22+$0x0] =	vst v2;
	v2 =	vld [tilespmem:s22+$0x10];
	_ =	sdelay $0x4  }
0x88: {  	v2 =	vmul.f32 v2, v3;
	_ =	sdelay $0x1  }
0x89: {  	[tilespmem:s22+$0x10] =	vst v2;
	v2 =	vld [tilespmem:s22+$0x20];
	_ =	sdelay $0x4  }
0x8a: {  	v2 =	vmul.f32 v2, v3;
	_ =	sdelay $0x1  }
0x8b: {  	[tilespmem:s22+$0x20] =	vst v2;
	v2 =	vld [tilespmem:s22+$0x30];
	_ =	sdelay $0x4  }
0x8c: {  	v2 =	vmul.f32 v2, v3;
	_ =	sdelay $0x1  }
0x8d: {  	[tilespmem:s22+$0x30] =	vst v2;
	v2 =	vld [tilespmem:s22+$0x40];
	_ =	sdelay $0x2  }
0x8e: {  	v3 =	vbroadcast v1, $0x9;
	_ =	sdelay $0x1  }
0x8f: {  	v2 =	vmul.f32 v2, v3;
	_ =	sdelay $0x1  }
0x90: {  	[tilespmem:s22+$0x40] =	vst v2;
	v2 =	vld [tilespmem:s22+$0x50];
	_ =	sdelay $0x4  }
0x91: {  	v2 =	vmul.f32 v2, v3;
	_ =	sdelay $0x1  }
0x92: {  	[tilespmem:s22+$0x50] =	vst v2;
	v2 =	vld [tilespmem:s22+$0x60];
	_ =	sdelay $0x4  }
0x93: {  	v2 =	vmul.f32 v2, v3;
	_ =	sdelay $0x1  }
0x94: {  	[tilespmem:s22+$0x60] =	vst v2;
	v2 =	vld [tilespmem:s22+$0x70];
	_ =	sdelay $0x4  }
0x95: {  	v2 =	vmul.f32 v2, v3;
	_ =	sdelay $0x1  }
0x96: {  	[tilespmem:s22+$0x70] =	vst v2;
	v2 =	vld [tilespmem:s22+$0x80];
	_ =	sdelay $0x2  }
0x97: {  	v3 =	vbroadcast v1, $0xA;
	_ =	sdelay $0x1  }
0x98: {  	v2 =	vmul.f32 v2, v3;
	_ =	sdelay $0x1  }
0x99: {  	[tilespmem:s22+$0x80] =	vst v2;
	v2 =	vld [tilespmem:s22+$0x90];
	_ =	sdelay $0x4  }
0x9a: {  	v2 =	vmul.f32 v2, v3;
	_ =	sdelay $0x1  }
0x9b: {  	[tilespmem:s22+$0x90] =	vst v2;
	v2 =	vld [tilespmem:s22+$0xA0];
	_ =	sdelay $0x4  }
0x9c: {  	v2 =	vmul.f32 v2, v3;
	_ =	sdelay $0x1  }
0x9d: {  	[tilespmem:s22+$0xA0] =	vst v2;
	v2 =	vld [tilespmem:s22+$0xB0];
	_ =	sdelay $0x4  }
0x9e: {  	v2 =	vmul.f32 v2, v3;
	_ =	sdelay $0x1  }
0x9f: {  	[tilespmem:s22+$0xB0] =	vst v2;
	v2 =	vld [tilespmem:s22+$0xC0];
	_ =	sdelay $0x2  }
0xa0: {  	v3 =	vbroadcast v1, $0xB;
	_ =	sdelay $0x1  }
0xa1: {  	v2 =	vmul.f32 v2, v3;
	_ =	sdelay $0x1  }
0xa2: {  	[tilespmem:s22+$0xC0] =	vst v2;
	v2 =	vld [tilespmem:s22+$0xD0];
	_ =	sdelay $0x4  }
0xa3: {  	v2 =	vmul.f32 v2, v3;
	_ =	sdelay $0x1  }
0xa4: {  	[tilespmem:s22+$0xD0] =	vst v2;
	v2 =	vld [tilespmem:s22+$0xE0];
	_ =	sdelay $0x4  }
0xa5: {  	v2 =	vmul.f32 v2, v3;
	_ =	sdelay $0x1  }
0xa6: {  	[tilespmem:s22+$0xE0] =	vst v2;
	v2 =	vld [tilespmem:s22+$0xF0];
	_ =	sdelay $0x4  }
0xa7: {  	v2 =	vmul.f32 v2, v3;
	_ =	sdelay $0x1  }
0xa8: {  	[tilespmem:s22+$0xF0] =	vst v2;
	v2 =	vld [tilespmem:s22+$0x100];
	_ =	sdelay $0x2  }
0xa9: {  	v3 =	vbroadcast v1, $0xC;
	_ =	sdelay $0x1  }
0xaa: {  	v2 =	vmul.f32 v2, v3;
	_ =	sdelay $0x1  }
0xab: {  	[tilespmem:s22+$0x100] =	vst v2;
	v2 =	vld [tilespmem:s22+$0x110];
	_ =	sdelay $0x4  }
0xac: {  	v2 =	vmul.f32 v2, v3;
	_ =	sdelay $0x1  }
0xad: {  	[tilespmem:s22+$0x110] =	vst v2;
	v2 =	vld [tilespmem:s22+$0x120];
	_ =	sdelay $0x4  }
0xae: {  	v2 =	vmul.f32 v2, v3;
	_ =	sdelay $0x1  }
0xaf: {  	[tilespmem:s22+$0x120] =	vst v2;
	v2 =	vld [tilespmem:s22+$0x130];
	_ =	sdelay $0x4  }
0xb0: {  	v2 =	vmul.f32 v2, v3;
	_ =	sdelay $0x1  }
0xb1: {  	[tilespmem:s22+$0x130] =	vst v2;
	v2 =	vld [tilespmem:s22+$0x140];
	_ =	sdelay $0x2  }
0xb2: {  	v3 =	vbroadcast v1, $0xD;
	_ =	sdelay $0x1  }
0xb3: {  	v2 =	vmul.f32 v2, v3;
	_ =	sdelay $0x1  }
0xb4: {  	[tilespmem:s22+$0x140] =	vst v2;
	v2 =	vld [tilespmem:s22+$0x150];
	_ =	sdelay $0x4  }
0xb5: {  	v2 =	vmul.f32 v2, v3;
	_ =	sdelay $0x1  }
0xb6: {  	[tilespmem:s22+$0x150] =	vst v2;
	v2 =	vld [tilespmem:s22+$0x160];
	_ =	sdelay $0x4  }
0xb7: {  	v2 =	vmul.f32 v2, v3;
	_ =	sdelay $0x1  }
0xb8: {  	[tilespmem:s22+$0x160] =	vst v2;
	v2 =	vld [tilespmem:s22+$0x170];
	_ =	sdelay $0x4  }
0xb9: {  	v2 =	vmul.f32 v2, v3;
	_ =	sdelay $0x1  }
0xba: {  	[tilespmem:s22+$0x170] =	vst v2;
	v2 =	vld [tilespmem:s22+$0x180];
	_ =	sdelay $0x2  }
0xbb: {  	v3 =	vbroadcast v1, $0xE;
	_ =	sdelay $0x1  }
0xbc: {  	v2 =	vmul.f32 v2, v3;
	_ =	sdelay $0x1  }
0xbd: {  	[tilespmem:s22+$0x180] =	vst v2;
	v2 =	vld [tilespmem:s22+$0x190];
	_ =	sdelay $0x4  }
0xbe: {  	v2 =	vmul.f32 v2, v3;
	_ =	sdelay $0x1  }
0xbf: {  	[tilespmem:s22+$0x190] =	vst v2;
	v2 =	vld [tilespmem:s22+$0x1A0];
	_ =	sdelay $0x4  }
0xc0: {  	v2 =	vmul.f32 v2, v3;
	_ =	sdelay $0x1  }
0xc1: {  	[tilespmem:s22+$0x1A0] =	vst v2;
	v2 =	vld [tilespmem:s22+$0x1B0];
	_ =	sdelay $0x4  }
0xc2: {  	v2 =	vmul.f32 v2, v3;
	_ =	sdelay $0x1  }
0xc3: {  	[tilespmem:s22+$0x1B0] =	vst v2;
	v2 =	vld [tilespmem:s22+$0x1C0];
	_ =	sdelay $0x2  }
0xc4: {  	v1 =	vbroadcast v1, $0xF;
	_ =	sdelay $0x1  }
0xc5: {  	v2 =	vmul.f32 v2, v1;
	_ =	sdelay $0x1  }
0xc6: {  	[tilespmem:s22+$0x1C0] =	vst v2;
	v2 =	vld [tilespmem:s22+$0x1D0];
	_ =	sdelay $0x4  }
0xc7: {  	v2 =	vmul.f32 v2, v1;
	_ =	sdelay $0x1  }
0xc8: {  	[tilespmem:s22+$0x1D0] =	vst v2;
	v2 =	vld [tilespmem:s22+$0x1E0];
	_ =	sdelay $0x4  }
0xc9: {  	v2 =	vmul.f32 v2, v1;
	_ =	sdelay $0x1  }
0xca: {  	[tilespmem:s22+$0x1E0] =	vst v2;
	v2 =	vld [tilespmem:s22+$0x1F0];
	_ =	sdelay $0x1  }
0xcb: {  	p1 =	sne.s32 s23, $0x100  }
.Ltmp1:
0xcc: {  	_ = 	snop;
	(pc) =	sbr.rel @p1 .LBB2_5-.Ltmp1, $3  }
0xcd: {  	_ = 	snop  }
0xce: {  	v1 =	vmul.f32 v2, v1;
	_ =	sdelay $0x1  }
0xcf: {  	s23 =	sadd.s32 $0x40, s23;
	[tilespmem:s22+$0x1F0] =	vst v1;
	s22 =	sadd.s32 $0x400, s22  }
0xd0: {  	s21 =	sadd.s32 $0x1, s21  }
0xd1: {  	p1 =	sne.s32 s21, $0xFA  }
.Ltmp2:
0xd2: {  	_ = 	snop;
	(pc) =	sbr.rel @p1 .LBB2_4-.Ltmp2, $4  }
0xd3: {  	[spmem:s2] =	stream.indirect.scatter.add.f32 [tilespmem:s18], [sflag:$0x2], $0x40, s16, s16, $0xb8;
	[tilespmem:$0x11530] =	vst v63  }
0xd4: {  	_ =	swait.ge [sflag:s15], $0x1400  }
0xd5: {  	[sflag:s15] =	ssyncset.done $0x0  }
0xd6: {  	[sflag:s15] =	ssyncadd.s32 $0xFFFFEC00  }
0xd7: {  	s20 =	sshll.u32 s3, $0x6  }
0xd8: {  	[bflag:$0x0] =	sbarrier.arrive $0xFFFF;
	s21 =	sshrl.u32 s7, $0x3;
	s20 =	sor.u32 $0x1C02, s20  }
0xd9: {  	[hbm:s10], [sflag:s20] =	dma.local [spmem:s21], $0xC80  }
0xda: {  	_ =	swait.ge [sflag:s15], $0xC80  }
0xdb: {  	s4 =	sadd.s32 $0x1, s4;
	[sflag:s15] =	ssyncset.done $0x0  }
0xdc: {  	p1 =	sne.s32 s4, s12;
	s21 =	sshrl.u32 @!p0 s8, $0x3;
	[sflag:s15] =	ssyncadd.s32 $0xFFFFF380  }
0xdd: {  	[hbm:s11], [sflag:s20] =	dma.local @!p0 [spmem:s21], $0xC80  }
.Ltmp3:
0xde: {  	_ = 	snop;
	(pc) =	sbr.rel @p1 .LBB2_1-.Ltmp3, $4  }
0xdf: {  	s20 =	simm.s32 @!p0 $0x2  }
0xe0: {  	_ =	swait.ge @!p0 [sflag:s20], $0xC80  }
0xe1: {  	[sflag:s20] =	ssyncset.done @!p0 $0x0  }
0xe2: {  	[sflag:s20] =	ssyncadd.s32 @!p0 $0xFFFFF380  }
0xe3: {  	_ =	sfence.sel $0x180000  }
0xe4: {  	[bflag:$0x0] =	sbarrier.arrive $0xFFFF  }
0xe5: {  	p0 =	sne.s32 s3, $0x0;
	_ =	strace $0x90000047  }
0xe6: {  	s0 =	sadd.s32 @!p0 $0x100000, s0;
	[bflag:$0x2] =	sbarrier.arrive $0xFFFF  }
0xe7: {  	[sflag:s0] =	ssyncadd.tile.s32 @!p0 $0x1;
	_ =	shalt  }
.Lfunc_end2:
_tile_overlayer_lowered:
.L_overlay_start_2:
0xe8: {  	(tag) =	ssettag $0x2  }
0xe9: {  	s0 =	rddreg [dreg:$0x0];
	s2 =	stileid.u32  }
0xea: {  	s1 =	rddreg [dreg:$0x1];
	p0 =	sne.s32 s2, $0x0  }
0xeb: {  	s3 =	rddreg [dreg:$0x2];
	[bflag:$0x3] =	sbarrier.arrive $0xFFFF;
	s2 =	simm.s32 @!p0 $0x1C02  }
0xec: {  	[timem:s3], [sflag:s2] =	dma.local @!p0 [hbm:s0], s1  }
0xed: {  	s0 =	simm.s32 @!p0 $0x2  }
0xee: {  	_ =	swait.ge @!p0 [sflag:s0], s1  }
0xef: {  	s1 =	ssub.s32 @!p0 $0x0, s1;
	[sflag:s0] =	ssyncset.done @!p0 $0x0  }
0xf0: {  	[sflag:s0] =	ssyncadd.s32 @!p0 s1  }
0xf1: {  	[bflag:$0x3] =	sbarrier.arrive $0xFFFF  }
0xf2: {  	_ =	shalt  }

</sc_bundles>
